<compile_context>
chip_gen: v7x
topology: tpu7x:2x2x1
jax: 0.10.2.dev20260603
libtpu: 0.0.44.dev20260713+nightly
codegen_flags: <defaults>
</compile_context>

<pallas_src>
import functools

import jax
import jax.numpy as jnp
from jax import lax
from jax.experimental import pallas as pl
from jax.experimental.pallas import tpu as pltpu
from jax.experimental.pallas import tpu_sc as plsc

WORD_DIM = 50
POS_DIM = 5
POS_ROWS = 400
OUT_DIM = 60
WPAD = 128
PT_LEN = 2 * POS_ROWS * POS_DIM

_INFO = plsc.get_sparse_core_info()
_NC = _INFO.num_cores
_NS = _INFO.num_subcores
_NW = _NC * _NS

WT_ROWS = 100002
WTP_ROWS = 100096
_PREP_R = 256
_PREP_FULL = 390
_PREP_TAIL = 160


@jax.jit
def _prep(word_table, p1f, p2f):
    mesh = plsc.VectorSubcoreMesh(core_axis_name="c", subcore_axis_name="s")
    n_loop = (_PREP_FULL + _NW - 1) // _NW

    @functools.partial(
        pl.kernel,
        mesh=mesh,
        out_type=(
            jax.ShapeDtypeStruct((WTP_ROWS * WPAD,), jnp.float32),
            jax.ShapeDtypeStruct((PT_LEN,), jnp.float32),
        ),
        compiler_params=pltpu.CompilerParams(needs_layout_passes=False),
        scratch_types=[
            pltpu.VMEM((_PREP_R, WORD_DIM), jnp.float32),
            pltpu.VMEM((_PREP_R * WPAD,), jnp.float32),
            pltpu.VMEM((_PREP_TAIL, WORD_DIM), jnp.float32),
            pltpu.VMEM((_PREP_TAIL * WPAD,), jnp.float32),
            pltpu.VMEM((POS_ROWS * POS_DIM,), jnp.float32),
        ],
    )
    def pbody(wt_hbm, p1_hbm, p2_hbm, wtp_hbm, pc_hbm, in_v, ob_v, ti_v, to_v, tmp_v):
        wid = lax.axis_index("s") * _NC + lax.axis_index("c")

        def do_block(row0, iv, ov, rows):
            pltpu.sync_copy(wt_hbm.at[pl.ds(row0, rows)], iv)

            def row_body(r):
                ob = r * WPAD
                for off in (0, 16, 32, 34):
                    ov[pl.ds(ob + off, 16)] = iv[r, pl.ds(off, 16)]

            pl.loop(0, rows, unroll=8)(row_body)
            pltpu.sync_copy(ov, wtp_hbm.at[pl.ds(row0 * WPAD, rows * WPAD)])

        def loop_body(k):
            c = wid + _NW * k

            @pl.when(c < _PREP_FULL)
            def _():
                do_block(c * _PREP_R, in_v, ob_v, _PREP_R)

        pl.loop(0, n_loop)(loop_body)

        @pl.when(wid == 6)
        def _():
            do_block(_PREP_FULL * _PREP_R, ti_v, to_v, _PREP_TAIL)

        @pl.when(wid == 0)
        def _():
            pltpu.sync_copy(p1_hbm, tmp_v)
            pltpu.sync_copy(tmp_v, pc_hbm.at[pl.ds(0, POS_ROWS * POS_DIM)])

        @pl.when(wid == 1)
        def _():
            pltpu.sync_copy(p2_hbm, tmp_v)
            pltpu.sync_copy(tmp_v, pc_hbm.at[pl.ds(POS_ROWS * POS_DIM, POS_ROWS * POS_DIM)])

    return pbody(word_table, p1f, p2f)


@jax.jit
def _emb(word_i, pos1_i, pos2_i, word_table_pad, pos_cat):
    n_rows, chunk = word_i.shape
    n_tok = n_rows * chunk
    n_chunks = n_rows // _NW
    assert n_chunks >= 6
    n_vec = chunk // 16
    mesh = plsc.VectorSubcoreMesh(core_axis_name="c", subcore_axis_name="s")

    @functools.partial(
        pl.kernel,
        mesh=mesh,
        out_type=jax.ShapeDtypeStruct((n_tok, WPAD), jnp.float32),
        compiler_params=pltpu.CompilerParams(needs_layout_passes=False),
        scratch_types=[
            [pltpu.VMEM((200,), jnp.int32)] * 3,
            [pltpu.VMEM((200,), jnp.int32)] * 3,
            [pltpu.VMEM((200,), jnp.int32)] * 3,
            [pltpu.VMEM((200, WPAD), jnp.float32)] * 3,
            pltpu.VMEM((PT_LEN,), jnp.float32),
            [pltpu.SemaphoreType.DMA] * 3,
            [pltpu.SemaphoreType.DMA] * 3,
            [pltpu.SemaphoreType.DMA] * 3,
        ],
    )
    def body(wi_hbm, p1i_hbm, p2i_hbm, wt_hbm, pt_hbm, out_hbm,
             wi_v, p1i_v, p2i_v, w_v, pt_v, sem_i, sem_g, sem_o):
        wid = lax.axis_index("s") * _NC + lax.axis_index("c")
        w_row = wid * n_chunks
        w_base = w_row * chunk
        pltpu.sync_copy(pt_hbm, pt_v)

        def start_idx(g, b):
            row = w_row + g
            pltpu.async_copy(wi_hbm.at[row], wi_v[b], sem_i[b])
            pltpu.async_copy(p1i_hbm.at[row], p1i_v[b], sem_i[b])
            pltpu.async_copy(p2i_hbm.at[row], p2i_v[b], sem_i[b])

        def wait_idx(b):
            for ref in (wi_v, p1i_v, p2i_v):
                pltpu.make_async_copy(wi_hbm.at[0], ref[b], sem_i[b]).wait()

        def start_gather(b):
            pltpu.async_copy(wt_hbm.at[wi_v[b]], w_v[b], sem_g[b])

        def wait_gather(b):
            pltpu.make_async_copy(
                wt_hbm.at[pl.ds(0, chunk)], w_v[b], sem_g[b]).wait()

        def start_out(g, b):
            base = w_base + g * chunk
            pltpu.async_copy(
                w_v[b], out_hbm.at[pl.ds(base, chunk)], sem_o[b])

        def wait_out(b):
            pltpu.make_async_copy(
                w_v[b], out_hbm.at[pl.ds(0, chunk)], sem_o[b]).wait()

        def compute(b):
            iota = lax.iota(jnp.int32, 16)

            def vec_group(off):
                tok = off + iota
                p1 = p1i_v[b][pl.ds(off, 16)] * POS_DIM
                p2 = p2i_v[b][pl.ds(off, 16)] * POS_DIM + (POS_ROWS * POS_DIM)
                for d in range(POS_DIM):
                    v1 = plsc.load_gather(pt_v, [p1 + d])
                    plsc.store_scatter(
                        w_v[b], [tok, jnp.full((16,), WORD_DIM + d, jnp.int32)], v1)
                    v2 = plsc.load_gather(pt_v, [p2 + d])
                    plsc.store_scatter(
                        w_v[b],
                        [tok, jnp.full((16,), WORD_DIM + POS_DIM + d, jnp.int32)], v2)

            pl.loop(0, n_vec)(lambda j: vec_group(j * 16))
            vec_group(chunk - 16)

        start_idx(0, 0)
        start_idx(1, 1)
        start_idx(2, 2)
        wait_idx(0)
        start_gather(0)
        wait_idx(1)
        start_gather(1)

        def outer(g0):
            for par in range(3):
                g = g0 + par
                b = par
                n2 = (par + 2) % 3

                @pl.when(g < n_chunks)
                def _():
                    wait_gather(b)
                    compute(b)
                    start_out(g, b)

                    @pl.when(g + 3 < n_chunks)
                    def _():
                        start_idx(g + 3, b)

                    @pl.when(g + 2 < n_chunks)
                    def _():
                        @pl.when(g >= 1)
                        def _():
                            wait_out(n2)

                        wait_idx(n2)
                        start_gather(n2)

        pl.loop(0, n_chunks, step=3)(outer)
        wait_out((n_chunks - 3) % 3)
        wait_out((n_chunks - 2) % 3)
        wait_out((n_chunks - 1) % 3)

    return body(word_i, pos1_i, pos2_i, word_table_pad, pos_cat)


def kernel(word, pos1, pos2, word_table, pos1_table, pos2_table):
    b, l = word.shape
    wi = word.astype(jnp.int32)
    p1i = pos1.astype(jnp.int32)
    p2i = pos2.astype(jnp.int32)
    wt_pad_flat, pos_cat = _prep(
        word_table, pos1_table.reshape(-1), pos2_table.reshape(-1))
    wt_pad = wt_pad_flat.reshape(WTP_ROWS, WPAD)
    out = _emb(wi, p1i, p2i, wt_pad, pos_cat)
    return out[:, :OUT_DIM].reshape(b, l, OUT_DIM)

# --- scband reference (transcript-rebuilt; emitter-appended) ---
"""Pipeline reference for scband-embedding-65498251264393 (READ-ONLY COPY).

The authoritative reference and input builder live on the scoring server;
editing this copy changes nothing except your own understanding.
"""

import jax, jax.numpy as jnp
import numpy as np

VOCAB = 100000
MAX_LEN = 200
WORD_DIM = 50
POS_DIM = 5
BATCH = 4096
SEQ = 200


def setup_inputs(seed: int = 0) -> dict:
    key = jax.random.key(seed)
    k1, k2, k3, k4, k5, k6 = jax.random.split(key, 6)
    # word embedding table: vocab rows + unk + blk (padding) rows = VOCAB + 2
    word_vec_mat = jax.random.normal(k1, (VOCAB, WORD_DIM), dtype=jnp.float32)
    unk = jnp.zeros((1, WORD_DIM), dtype=jnp.float32)
    blk = jnp.zeros((1, WORD_DIM), dtype=jnp.float32)
    word_table = jnp.concatenate([word_vec_mat, unk, blk], axis=0)  # [VOCAB+2, 50]
    # positional embedding tables; padding_idx=0 -> row 0 zeroed
    pos1_table = jax.random.normal(k2, (2 * MAX_LEN, POS_DIM), dtype=jnp.float32)
    pos1_table = pos1_table.at[0].set(0.0)
    pos2_table = jax.random.normal(k3, (2 * MAX_LEN, POS_DIM), dtype=jnp.float32)
    pos2_table = pos2_table.at[0].set(0.0)
    word = jax.random.randint(k4, (BATCH, SEQ), 0, VOCAB, dtype=jnp.int64 if jax.config.jax_enable_x64 else jnp.int32)
    pos1 = jax.random.randint(k5, (BATCH, SEQ), 0, 2 * MAX_LEN, dtype=word.dtype)
    pos2 = jax.random.randint(k6, (BATCH, SEQ), 0, 2 * MAX_LEN, dtype=word.dtype)
    return {
        "word": word,
        "pos1": pos1,
        "pos2": pos2,
        "word_table": word_table,
        "pos1_table": pos1_table,
        "pos2_table": pos2_table,
    }


def reference(word, pos1, pos2, word_table, pos1_table, pos2_table):
    w = jnp.take(word_table, word, axis=0)   # [B, L, 50]
    p1 = jnp.take(pos1_table, pos1, axis=0)  # [B, L, 5]
    p2 = jnp.take(pos2_table, pos2, axis=0)  # [B, L, 5]
    x = jnp.concatenate([w, p1, p2], axis=2)  # [B, L, 60]
    return x

if __name__ == "__main__":
    import jax
    _d = setup_inputs()
    print(jax.jit(kernel)(*tuple(_d.values())))

</pallas_src>

<mosaic_0001>
#map = affine_map<(d0, d1) -> (0, 0)>
#map1 = affine_map<(d0, d1) -> (0)>
module attributes {stable_mosaic.version = 14 : i64} {
  func.func @pbody(%arg0: i32, %arg1: i32, %arg2: memref<100002x50xf32, #tpu.memory_space<hbm>>, %arg3: memref<2000xf32, #tpu.memory_space<hbm>>, %arg4: memref<2000xf32, #tpu.memory_space<hbm>>, %arg5: memref<12812288xf32, #tpu.memory_space<hbm>>, %arg6: memref<4000xf32, #tpu.memory_space<hbm>>, %arg7: memref<256x50xf32, #tpu.memory_space<vmem>>, %arg8: memref<32768xf32, #tpu.memory_space<vmem>>, %arg9: memref<160x50xf32, #tpu.memory_space<vmem>>, %arg10: memref<20480xf32, #tpu.memory_space<vmem>>, %arg11: memref<2000xf32, #tpu.memory_space<vmem>>) attributes {dimension_semantics = [#tpu.dimension_semantics<core_parallel>, #tpu.dimension_semantics<subcore_parallel>], iteration_bounds = array<i64: 2, 16>, scalar_prefetch = 0 : i64, scratch_operands = 5 : i64, tpu.core_type = #tpu.core_type<sc_vector_subcore>, window_params = [{transform_indices = #map}, {transform_indices = #map1}, {transform_indices = #map1}, {transform_indices = #map1}, {transform_indices = #map1}]} {
    %mul3A = arith.constant 2 : i32
    %mul3A_0 = arith.muli %arg1, %mul3A : i32
    %add3A = arith.addi %mul3A_0, %arg0 : i32
    %scan3A = arith.constant 0 : i32
    %scan3A_1 = arith.constant 13 : i32
    %scan3A_2 = arith.addi %scan3A, %scan3A_1 : i32
    %scan3A_3 = arith.constant 1 : i32
    scf.for %scan3A_17 = %scan3A to %scan3A_2 step %scan3A_3  : i32 {
      %mul3A_18 = arith.constant 1 : i32
      %mul3A_19 = arith.muli %scan3A_17, %mul3A_18 : i32
      %add3A_20 = arith.constant 0 : i32
      %add3A_21 = arith.addi %add3A_20, %mul3A_19 : i32
      %mul3A_22 = arith.constant 32 : i32
      %mul3A_23 = arith.muli %mul3A_22, %add3A_21 : i32
      %add3A_24 = arith.addi %add3A, %mul3A_23 : i32
      %lt3A = arith.constant 390 : i32
      %lt3A_25 = arith.cmpi slt, %add3A_24, %lt3A : i32
      %convert_element_type3A_26 = arith.extui %lt3A_25 : i1 to i32
      %cond3A_27 = arith.constant 0 : i32
      %cond3A_28 = arith.cmpi ne, %convert_element_type3A_26, %cond3A_27 : i32
      scf.if %cond3A_28 {
        %mul3A_29 = arith.constant 256 : i32
        %mul3A_30 = arith.muli %add3A_24, %mul3A_29 : i32
        "tpu.region"() ({
          %run_scoped3A = tpu.sem_alloc : memref<!tpu.dma_semaphore, #tpu.memory_space<semaphore_mem>>
          %dma_start3A = arith.constant 0 : i32
          %dma_start3A_38 = tpu.memref_slice %arg2[%mul3A_30, %dma_start3A] : memref<100002x50xf32, #tpu.memory_space<hbm>> -> memref<256x50xf32, #tpu.memory_space<hbm>>
          %dma_start3A_39 = arith.constant 0 : i32
          %dma_start3A_40 = tpu.memref_slice %arg2[%mul3A_30, %dma_start3A_39] : memref<100002x50xf32, #tpu.memory_space<hbm>> -> memref<256x50xf32, #tpu.memory_space<hbm>>
          tpu.enqueue_dma source(%dma_start3A_40 : memref<256x50xf32, #tpu.memory_space<hbm>>) target(%arg7 : memref<256x50xf32, #tpu.memory_space<vmem>>) target_semaphore(%run_scoped3A : memref<!tpu.dma_semaphore, #tpu.memory_space<semaphore_mem>>)
          %dma_wait3A = arith.constant 0 : i32
          %dma_wait3A_41 = tpu.memref_slice %arg2[%mul3A_30, %dma_wait3A] : memref<100002x50xf32, #tpu.memory_space<hbm>> -> memref<256x50xf32, #tpu.memory_space<hbm>>
          %dma_wait3A_42 = arith.constant 0 : i32
          %dma_wait3A_43 = tpu.memref_slice %arg2[%mul3A_30, %dma_wait3A_42] : memref<100002x50xf32, #tpu.memory_space<hbm>> -> memref<256x50xf32, #tpu.memory_space<hbm>>
          tpu.wait_dma2 semaphore(%run_scoped3A : memref<!tpu.dma_semaphore, #tpu.memory_space<semaphore_mem>>) src(%dma_wait3A_43 : memref<256x50xf32, #tpu.memory_space<hbm>>) dst(%arg7 : memref<256x50xf32, #tpu.memory_space<vmem>>)
          tpu.yield
        }) : () -> ()
        %scan3A_31 = arith.constant 0 : i32
        %scan3A_32 = arith.constant 256 : i32
        %scan3A_33 = arith.addi %scan3A_31, %scan3A_32 : i32
        %scan3A_34 = arith.constant 8 : i32
        scf.for %scan3A_38 = %scan3A_31 to %scan3A_33 step %scan3A_34  : i32 {
          %mul3A_39 = arith.constant 1 : i32
          %mul3A_40 = arith.muli %scan3A_38, %mul3A_39 : i32
          %add3A_41 = arith.constant 0 : i32
          %add3A_42 = arith.addi %add3A_41, %mul3A_40 : i32
          %mul3A_43 = arith.constant 128 : i32
          %mul3A_44 = arith.muli %add3A_42, %mul3A_43 : i32
          %get3A = arith.index_cast %add3A_42 : i32 to index
          %get3A_45 = arith.constant 0 : index
          %get3A_46 = tpu.vector_load %arg7[%get3A, %get3A_45] {strides = array<i32>} : memref<256x50xf32, #tpu.memory_space<vmem>>, vector<16xf32>,
          %add3A_47 = arith.constant 0 : i32
          %add3A_48 = arith.addi %mul3A_44, %add3A_47 : i32
          %swap3A = arith.index_cast %add3A_48 : i32 to index
          %swap3A_49 = tpu.vector_load %arg8[%swap3A] {strides = array<i32>} : memref<32768xf32, #tpu.memory_space<vmem>>, vector<16xf32>,
          tpu.vector_store %arg8[%swap3A], %get3A_46 {strides = array<i32>} : memref<32768xf32, #tpu.memory_space<vmem>>, vector<16xf32>,
          %get3A_50 = arith.index_cast %add3A_42 : i32 to index
          %get3A_51 = arith.constant 16 : index
          %get3A_52 = tpu.vector_load %arg7[%get3A_50, %get3A_51] {strides = array<i32>} : memref<256x50xf32, #tpu.memory_space<vmem>>, vector<16xf32>,
          %add3A_53 = arith.constant 16 : i32
          %add3A_54 = arith.addi %mul3A_44, %add3A_53 : i32
          %swap3A_55 = arith.index_cast %add3A_54 : i32 to index
          %swap3A_56 = tpu.vector_load %arg8[%swap3A_55] {strides = array<i32>} : memref<32768xf32, #tpu.memory_space<vmem>>, vector<16xf32>,
          tpu.vector_store %arg8[%swap3A_55], %get3A_52 {strides = array<i32>} : memref<32768xf32, #tpu.memory_space<vmem>>, vector<16xf32>,
          %get3A_57 = arith.index_cast %add3A_42 : i32 to index
          %get3A_58 = arith.constant 32 : index
          %get3A_59 = tpu.vector_load %arg7[%get3A_57, %get3A_58] {strides = array<i32>} : memref<256x50xf32, #tpu.memory_space<vmem>>, vector<16xf32>,
          %add3A_60 = arith.constant 32 : i32
          %add3A_61 = arith.addi %mul3A_44, %add3A_60 : i32
          %swap3A_62 = arith.index_cast %add3A_61 : i32 to index
          %swap3A_63 = tpu.vector_load %arg8[%swap3A_62] {strides = array<i32>} : memref<32768xf32, #tpu.memory_space<vmem>>, vector<16xf32>,
          tpu.vector_store %arg8[%swap3A_62], %get3A_59 {strides = array<i32>} : memref<32768xf32, #tpu.memory_space<vmem>>, vector<16xf32>,
          %get3A_64 = arith.index_cast %add3A_42 : i32 to index
          %get3A_65 = arith.constant 34 : index
          %get3A_66 = tpu.vector_load %arg7[%get3A_64, %get3A_65] {strides = array<i32>} : memref<256x50xf32, #tpu.memory_space<vmem>>, vector<16xf32>,
          %add3A_67 = arith.constant 34 : i32
          %add3A_68 = arith.addi %mul3A_44, %add3A_67 : i32
          %swap3A_69 = arith.index_cast %add3A_68 : i32 to index
          %swap3A_70 = tpu.vector_load %arg8[%swap3A_69] {strides = array<i32>} : memref<32768xf32, #tpu.memory_space<vmem>>, vector<16xf32>,
          tpu.vector_store %arg8[%swap3A_69], %get3A_66 {strides = array<i32>} : memref<32768xf32, #tpu.memory_space<vmem>>, vector<16xf32>,
          %scan3A_71 = arith.constant 1 : i32
          %scan3A_72 = arith.addi %scan3A_38, %scan3A_71 : i32
          %mul3A_73 = arith.constant 1 : i32
          %mul3A_74 = arith.muli %scan3A_72, %mul3A_73 : i32
          %add3A_75 = arith.constant 0 : i32
          %add3A_76 = arith.addi %add3A_75, %mul3A_74 : i32
          %mul3A_77 = arith.constant 128 : i32
          %mul3A_78 = arith.muli %add3A_76, %mul3A_77 : i32
          %get3A_79 = arith.index_cast %add3A_76 : i32 to index
          %get3A_80 = arith.constant 0 : index
          %get3A_81 = tpu.vector_load %arg7[%get3A_79, %get3A_80] {strides = array<i32>} : memref<256x50xf32, #tpu.memory_space<vmem>>, vector<16xf32>,
          %add3A_82 = arith.constant 0 : i32
          %add3A_83 = arith.addi %mul3A_78, %add3A_82 : i32
          %swap3A_84 = arith.index_cast %add3A_83 : i32 to index
          %swap3A_85 = tpu.vector_load %arg8[%swap3A_84] {strides = array<i32>} : memref<32768xf32, #tpu.memory_space<vmem>>, vector<16xf32>,
          tpu.vector_store %arg8[%swap3A_84], %get3A_81 {strides = array<i32>} : memref<32768xf32, #tpu.memory_space<vmem>>, vector<16xf32>,
          %get3A_86 = arith.index_cast %add3A_76 : i32 to index
          %get3A_87 = arith.constant 16 : index
          %get3A_88 = tpu.vector_load %arg7[%get3A_86, %get3A_87] {strides = array<i32>} : memref<256x50xf32, #tpu.memory_space<vmem>>, vector<16xf32>,
          %add3A_89 = arith.constant 16 : i32
          %add3A_90 = arith.addi %mul3A_78, %add3A_89 : i32
          %swap3A_91 = arith.index_cast %add3A_90 : i32 to index
          %swap3A_92 = tpu.vector_load %arg8[%swap3A_91] {strides = array<i32>} : memref<32768xf32, #tpu.memory_space<vmem>>, vector<16xf32>,
          tpu.vector_store %arg8[%swap3A_91], %get3A_88 {strides = array<i32>} : memref<32768xf32, #tpu.memory_space<vmem>>, vector<16xf32>,
          %get3A_93 = arith.index_cast %add3A_76 : i32 to index
          %get3A_94 = arith.constant 32 : index
          %get3A_95 = tpu.vector_load %arg7[%get3A_93, %get3A_94] {strides = array<i32>} : memref<256x50xf32, #tpu.memory_space<vmem>>, vector<16xf32>,
          %add3A_96 = arith.constant 32 : i32
          %add3A_97 = arith.addi %mul3A_78, %add3A_96 : i32
          %swap3A_98 = arith.index_cast %add3A_97 : i32 to index
          %swap3A_99 = tpu.vector_load %arg8[%swap3A_98] {strides = array<i32>} : memref<32768xf32, #tpu.memory_space<vmem>>, vector<16xf32>,
          tpu.vector_store %arg8[%swap3A_98], %get3A_95 {strides = array<i32>} : memref<32768xf32, #tpu.memory_space<vmem>>, vector<16xf32>,
          %get3A_100 = arith.index_cast %add3A_76 : i32 to index
          %get3A_101 = arith.constant 34 : index
          %get3A_102 = tpu.vector_load %arg7[%get3A_100, %get3A_101] {strides = array<i32>} : memref<256x50xf32, #tpu.memory_space<vmem>>, vector<16xf32>,
          %add3A_103 = arith.constant 34 : i32
          %add3A_104 = arith.addi %mul3A_78, %add3A_103 : i32
          %swap3A_105 = arith.index_cast %add3A_104 : i32 to index
          %swap3A_106 = tpu.vector_load %arg8[%swap3A_105] {strides = array<i32>} : memref<32768xf32, #tpu.memory_space<vmem>>, vector<16xf32>,
          tpu.vector_store %arg8[%swap3A_105], %get3A_102 {strides = array<i32>} : memref<32768xf32, #tpu.memory_space<vmem>>, vector<16xf32>,
          %scan3A_107 = arith.constant 2 : i32
          %scan3A_108 = arith.addi %scan3A_38, %scan3A_107 : i32
          %mul3A_109 = arith.constant 1 : i32
          %mul3A_110 = arith.muli %scan3A_108, %mul3A_109 : i32
          %add3A_111 = arith.constant 0 : i32
          %add3A_112 = arith.addi %add3A_111, %mul3A_110 : i32
          %mul3A_113 = arith.constant 128 : i32
          %mul3A_114 = arith.muli %add3A_112, %mul3A_113 : i32
          %get3A_115 = arith.index_cast %add3A_112 : i32 to index
          %get3A_116 = arith.constant 0 : index
          %get3A_117 = tpu.vector_load %arg7[%get3A_115, %get3A_116] {strides = array<i32>} : memref<256x50xf32, #tpu.memory_space<vmem>>, vector<16xf32>,
          %add3A_118 = arith.constant 0 : i32
          %add3A_119 = arith.addi %mul3A_114, %add3A_118 : i32
          %swap3A_120 = arith.index_cast %add3A_119 : i32 to index
          %swap3A_121 = tpu.vector_load %arg8[%swap3A_120] {strides = array<i32>} : memref<32768xf32, #tpu.memory_space<vmem>>, vector<16xf32>,
          tpu.vector_store %arg8[%swap3A_120], %get3A_117 {strides = array<i32>} : memref<32768xf32, #tpu.memory_space<vmem>>, vector<16xf32>,
          %get3A_122 = arith.index_cast %add3A_112 : i32 to index
          %get3A_123 = arith.constant 16 : index
          %get3A_124 = tpu.vector_load %arg7[%get3A_122, %get3A_123] {strides = array<i32>} : memref<256x50xf32, #tpu.memory_space<vmem>>, vector<16xf32>,
          %add3A_125 = arith.constant 16 : i32
          %add3A_126 = arith.addi %mul3A_114, %add3A_125 : i32
          %swap3A_127 = arith.index_cast %add3A_126 : i32 to index
          %swap3A_128 = tpu.vector_load %arg8[%swap3A_127] {strides = array<i32>} : memref<32768xf32, #tpu.memory_space<vmem>>, vector<16xf32>,
          tpu.vector_store %arg8[%swap3A_127], %get3A_124 {strides = array<i32>} : memref<32768xf32, #tpu.memory_space<vmem>>, vector<16xf32>,
          %get3A_129 = arith.index_cast %add3A_112 : i32 to index
          %get3A_130 = arith.constant 32 : index
          %get3A_131 = tpu.vector_load %arg7[%get3A_129, %get3A_130] {strides = array<i32>} : memref<256x50xf32, #tpu.memory_space<vmem>>, vector<16xf32>,
          %add3A_132 = arith.constant 32 : i32
          %add3A_133 = arith.addi %mul3A_114, %add3A_132 : i32
          %swap3A_134 = arith.index_cast %add3A_133 : i32 to index
          %swap3A_135 = tpu.vector_load %arg8[%swap3A_134] {strides = array<i32>} : memref<32768xf32, #tpu.memory_space<vmem>>, vector<16xf32>,
          tpu.vector_store %arg8[%swap3A_134], %get3A_131 {strides = array<i32>} : memref<32768xf32, #tpu.memory_space<vmem>>, vector<16xf32>,
          %get3A_136 = arith.index_cast %add3A_112 : i32 to index
          %get3A_137 = arith.constant 34 : index
          %get3A_138 = tpu.vector_load %arg7[%get3A_136, %get3A_137] {strides = array<i32>} : memref<256x50xf32, #tpu.memory_space<vmem>>, vector<16xf32>,
          %add3A_139 = arith.constant 34 : i32
          %add3A_140 = arith.addi %mul3A_114, %add3A_139 : i32
          %swap3A_141 = arith.index_cast %add3A_140 : i32 to index
          %swap3A_142 = tpu.vector_load %arg8[%swap3A_141] {strides = array<i32>} : memref<32768xf32, #tpu.memory_space<vmem>>, vector<16xf32>,
          tpu.vector_store %arg8[%swap3A_141], %get3A_138 {strides = array<i32>} : memref<32768xf32, #tpu.memory_space<vmem>>, vector<16xf32>,
          %scan3A_143 = arith.constant 3 : i32
          %scan3A_144 = arith.addi %scan3A_38, %scan3A_143 : i32
          %mul3A_145 = arith.constant 1 : i32
          %mul3A_146 = arith.muli %scan3A_144, %mul3A_145 : i32
          %add3A_147 = arith.constant 0 : i32
          %add3A_148 = arith.addi %add3A_147, %mul3A_146 : i32
          %mul3A_149 = arith.constant 128 : i32
          %mul3A_150 = arith.muli %add3A_148, %mul3A_149 : i32
          %get3A_151 = arith.index_cast %add3A_148 : i32 to index
          %get3A_152 = arith.constant 0 : index
          %get3A_153 = tpu.vector_load %arg7[%get3A_151, %get3A_152] {strides = array<i32>} : memref<256x50xf32, #tpu.memory_space<vmem>>, vector<16xf32>,
          %add3A_154 = arith.constant 0 : i32
          %add3A_155 = arith.addi %mul3A_150, %add3A_154 : i32
          %swap3A_156 = arith.index_cast %add3A_155 : i32 to index
          %swap3A_157 = tpu.vector_load %arg8[%swap3A_156] {strides = array<i32>} : memref<32768xf32, #tpu.memory_space<vmem>>, vector<16xf32>,
          tpu.vector_store %arg8[%swap3A_156], %get3A_153 {strides = array<i32>} : memref<32768xf32, #tpu.memory_space<vmem>>, vector<16xf32>,
          %get3A_158 = arith.index_cast %add3A_148 : i32 to index
          %get3A_159 = arith.constant 16 : index
          %get3A_160 = tpu.vector_load %arg7[%get3A_158, %get3A_159] {strides = array<i32>} : memref<256x50xf32, #tpu.memory_space<vmem>>, vector<16xf32>,
          %add3A_161 = arith.constant 16 : i32
          %add3A_162 = arith.addi %mul3A_150, %add3A_161 : i32
          %swap3A_163 = arith.index_cast %add3A_162 : i32 to index
          %swap3A_164 = tpu.vector_load %arg8[%swap3A_163] {strides = array<i32>} : memref<32768xf32, #tpu.memory_space<vmem>>, vector<16xf32>,
          tpu.vector_store %arg8[%swap3A_163], %get3A_160 {strides = array<i32>} : memref<32768xf32, #tpu.memory_space<vmem>>, vector<16xf32>,
          %get3A_165 = arith.index_cast %add3A_148 : i32 to index
          %get3A_166 = arith.constant 32 : index
          %get3A_167 = tpu.vector_load %arg7[%get3A_165, %get3A_166] {strides = array<i32>} : memref<256x50xf32, #tpu.memory_space<vmem>>, vector<16xf32>,
          %add3A_168 = arith.constant 32 : i32
          %add3A_169 = arith.addi %mul3A_150, %add3A_168 : i32
          %swap3A_170 = arith.index_cast %add3A_169 : i32 to index
          %swap3A_171 = tpu.vector_load %arg8[%swap3A_170] {strides = array<i32>} : memref<32768xf32, #tpu.memory_space<vmem>>, vector<16xf32>,
          tpu.vector_store %arg8[%swap3A_170], %get3A_167 {strides = array<i32>} : memref<32768xf32, #tpu.memory_space<vmem>>, vector<16xf32>,
          %get3A_172 = arith.index_cast %add3A_148 : i32 to index
          %get3A_173 = arith.constant 34 : index
          %get3A_174 = tpu.vector_load %arg7[%get3A_172, %get3A_173] {strides = array<i32>} : memref<256x50xf32, #tpu.memory_space<vmem>>, vector<16xf32>,
          %add3A_175 = arith.constant 34 : i32
          %add3A_176 = arith.addi %mul3A_150, %add3A_175 : i32
          %swap3A_177 = arith.index_cast %add3A_176 : i32 to index
          %swap3A_178 = tpu.vector_load %arg8[%swap3A_177] {strides = array<i32>} : memref<32768xf32, #tpu.memory_space<vmem>>, vector<16xf32>,
          tpu.vector_store %arg8[%swap3A_177], %get3A_174 {strides = array<i32>} : memref<32768xf32, #tpu.memory_space<vmem>>, vector<16xf32>,
          %scan3A_179 = arith.constant 4 : i32
          %scan3A_180 = arith.addi %scan3A_38, %scan3A_179 : i32
          %mul3A_181 = arith.constant 1 : i32
          %mul3A_182 = arith.muli %scan3A_180, %mul3A_181 : i32
          %add3A_183 = arith.constant 0 : i32
          %add3A_184 = arith.addi %add3A_183, %mul3A_182 : i32
          %mul3A_185 = arith.constant 128 : i32
          %mul3A_186 = arith.muli %add3A_184, %mul3A_185 : i32
          %get3A_187 = arith.index_cast %add3A_184 : i32 to index
          %get3A_188 = arith.constant 0 : index
          %get3A_189 = tpu.vector_load %arg7[%get3A_187, %get3A_188] {strides = array<i32>} : memref<256x50xf32, #tpu.memory_space<vmem>>, vector<16xf32>,
          %add3A_190 = arith.constant 0 : i32
          %add3A_191 = arith.addi %mul3A_186, %add3A_190 : i32
          %swap3A_192 = arith.index_cast %add3A_191 : i32 to index
          %swap3A_193 = tpu.vector_load %arg8[%swap3A_192] {strides = array<i32>} : memref<32768xf32, #tpu.memory_space<vmem>>, vector<16xf32>,
          tpu.vector_store %arg8[%swap3A_192], %get3A_189 {strides = array<i32>} : memref<32768xf32, #tpu.memory_space<vmem>>, vector<16xf32>,
          %get3A_194 = arith.index_cast %add3A_184 : i32 to index
          %get3A_195 = arith.constant 16 : index
          %get3A_196 = tpu.vector_load %arg7[%get3A_194, %get3A_195] {strides = array<i32>} : memref<256x50xf32, #tpu.memory_space<vmem>>, vector<16xf32>,
          %add3A_197 = arith.constant 16 : i32
          %add3A_198 = arith.addi %mul3A_186, %add3A_197 : i32
          %swap3A_199 = arith.index_cast %add3A_198 : i32 to index
          %swap3A_200 = tpu.vector_load %arg8[%swap3A_199] {strides = array<i32>} : memref<32768xf32, #tpu.memory_space<vmem>>, vector<16xf32>,
          tpu.vector_store %arg8[%swap3A_199], %get3A_196 {strides = array<i32>} : memref<32768xf32, #tpu.memory_space<vmem>>, vector<16xf32>,
          %get3A_201 = arith.index_cast %add3A_184 : i32 to index
          %get3A_202 = arith.constant 32 : index
          %get3A_203 = tpu.vector_load %arg7[%get3A_201, %get3A_202] {strides = array<i32>} : memref<256x50xf32, #tpu.memory_space<vmem>>, vector<16xf32>,
          %add3A_204 = arith.constant 32 : i32
          %add3A_205 = arith.addi %mul3A_186, %add3A_204 : i32
          %swap3A_206 = arith.index_cast %add3A_205 : i32 to index
          %swap3A_207 = tpu.vector_load %arg8[%swap3A_206] {strides = array<i32>} : memref<32768xf32, #tpu.memory_space<vmem>>, vector<16xf32>,
          tpu.vector_store %arg8[%swap3A_206], %get3A_203 {strides = array<i32>} : memref<32768xf32, #tpu.memory_space<vmem>>, vector<16xf32>,
          %get3A_208 = arith.index_cast %add3A_184 : i32 to index
          %get3A_209 = arith.constant 34 : index
          %get3A_210 = tpu.vector_load %arg7[%get3A_208, %get3A_209] {strides = array<i32>} : memref<256x50xf32, #tpu.memory_space<vmem>>, vector<16xf32>,
          %add3A_211 = arith.constant 34 : i32
          %add3A_212 = arith.addi %mul3A_186, %add3A_211 : i32
          %swap3A_213 = arith.index_cast %add3A_212 : i32 to index
          %swap3A_214 = tpu.vector_load %arg8[%swap3A_213] {strides = array<i32>} : memref<32768xf32, #tpu.memory_space<vmem>>, vector<16xf32>,
          tpu.vector_store %arg8[%swap3A_213], %get3A_210 {strides = array<i32>} : memref<32768xf32, #tpu.memory_space<vmem>>, vector<16xf32>,
          %scan3A_215 = arith.constant 5 : i32
          %scan3A_216 = arith.addi %scan3A_38, %scan3A_215 : i32
          %mul3A_217 = arith.constant 1 : i32
          %mul3A_218 = arith.muli %scan3A_216, %mul3A_217 : i32
          %add3A_219 = arith.constant 0 : i32
          %add3A_220 = arith.addi %add3A_219, %mul3A_218 : i32
          %mul3A_221 = arith.constant 128 : i32
          %mul3A_222 = arith.muli %add3A_220, %mul3A_221 : i32
          %get3A_223 = arith.index_cast %add3A_220 : i32 to index
          %get3A_224 = arith.constant 0 : index
          %get3A_225 = tpu.vector_load %arg7[%get3A_223, %get3A_224] {strides = array<i32>} : memref<256x50xf32, #tpu.memory_space<vmem>>, vector<16xf32>,
          %add3A_226 = arith.constant 0 : i32
          %add3A_227 = arith.addi %mul3A_222, %add3A_226 : i32
          %swap3A_228 = arith.index_cast %add3A_227 : i32 to index
          %swap3A_229 = tpu.vector_load %arg8[%swap3A_228] {strides = array<i32>} : memref<32768xf32, #tpu.memory_space<vmem>>, vector<16xf32>,
          tpu.vector_store %arg8[%swap3A_228], %get3A_225 {strides = array<i32>} : memref<32768xf32, #tpu.memory_space<vmem>>, vector<16xf32>,
          %get3A_230 = arith.index_cast %add3A_220 : i32 to index
          %get3A_231 = arith.constant 16 : index
          %get3A_232 = tpu.vector_load %arg7[%get3A_230, %get3A_231] {strides = array<i32>} : memref<256x50xf32, #tpu.memory_space<vmem>>, vector<16xf32>,
          %add3A_233 = arith.constant 16 : i32
          %add3A_234 = arith.addi %mul3A_222, %add3A_233 : i32
          %swap3A_235 = arith.index_cast %add3A_234 : i32 to index
          %swap3A_236 = tpu.vector_load %arg8[%swap3A_235] {strides = array<i32>} : memref<32768xf32, #tpu.memory_space<vmem>>, vector<16xf32>,
          tpu.vector_store %arg8[%swap3A_235], %get3A_232 {strides = array<i32>} : memref<32768xf32, #tpu.memory_space<vmem>>, vector<16xf32>,
          %get3A_237 = arith.index_cast %add3A_220 : i32 to index
          %get3A_238 = arith.constant 32 : index
          %get3A_239 = tpu.vector_load %arg7[%get3A_237, %get3A_238] {strides = array<i32>} : memref<256x50xf32, #tpu.memory_space<vmem>>, vector<16xf32>,
          %add3A_240 = arith.constant 32 : i32
          %add3A_241 = arith.addi %mul3A_222, %add3A_240 : i32
          %swap3A_242 = arith.index_cast %add3A_241 : i32 to index
          %swap3A_243 = tpu.vector_load %arg8[%swap3A_242] {strides = array<i32>} : memref<32768xf32, #tpu.memory_space<vmem>>, vector<16xf32>,
          tpu.vector_store %arg8[%swap3A_242], %get3A_239 {strides = array<i32>} : memref<32768xf32, #tpu.memory_space<vmem>>, vector<16xf32>,
          %get3A_244 = arith.index_cast %add3A_220 : i32 to index
          %get3A_245 = arith.constant 34 : index
          %get3A_246 = tpu.vector_load %arg7[%get3A_244, %get3A_245] {strides = array<i32>} : memref<256x50xf32, #tpu.memory_space<vmem>>, vector<16xf32>,
          %add3A_247 = arith.constant 34 : i32
          %add3A_248 = arith.addi %mul3A_222, %add3A_247 : i32
          %swap3A_249 = arith.index_cast %add3A_248 : i32 to index
          %swap3A_250 = tpu.vector_load %arg8[%swap3A_249] {strides = array<i32>} : memref<32768xf32, #tpu.memory_space<vmem>>, vector<16xf32>,
          tpu.vector_store %arg8[%swap3A_249], %get3A_246 {strides = array<i32>} : memref<32768xf32, #tpu.memory_space<vmem>>, vector<16xf32>,
          %scan3A_251 = arith.constant 6 : i32
          %scan3A_252 = arith.addi %scan3A_38, %scan3A_251 : i32
          %mul3A_253 = arith.constant 1 : i32
          %mul3A_254 = arith.muli %scan3A_252, %mul3A_253 : i32
          %add3A_255 = arith.constant 0 : i32
          %add3A_256 = arith.addi %add3A_255, %mul3A_254 : i32
          %mul3A_257 = arith.constant 128 : i32
          %mul3A_258 = arith.muli %add3A_256, %mul3A_257 : i32
          %get3A_259 = arith.index_cast %add3A_256 : i32 to index
          %get3A_260 = arith.constant 0 : index
          %get3A_261 = tpu.vector_load %arg7[%get3A_259, %get3A_260] {strides = array<i32>} : memref<256x50xf32, #tpu.memory_space<vmem>>, vector<16xf32>,
          %add3A_262 = arith.constant 0 : i32
          %add3A_263 = arith.addi %mul3A_258, %add3A_262 : i32
          %swap3A_264 = arith.index_cast %add3A_263 : i32 to index
          %swap3A_265 = tpu.vector_load %arg8[%swap3A_264] {strides = array<i32>} : memref<32768xf32, #tpu.memory_space<vmem>>, vector<16xf32>,
          tpu.vector_store %arg8[%swap3A_264], %get3A_261 {strides = array<i32>} : memref<32768xf32, #tpu.memory_space<vmem>>, vector<16xf32>,
          %get3A_266 = arith.index_cast %add3A_256 : i32 to index
          %get3A_267 = arith.constant 16 : index
          %get3A_268 = tpu.vector_load %arg7[%get3A_266, %get3A_267] {strides = array<i32>} : memref<256x50xf32, #tpu.memory_space<vmem>>, vector<16xf32>,
          %add3A_269 = arith.constant 16 : i32
          %add3A_270 = arith.addi %mul3A_258, %add3A_269 : i32
          %swap3A_271 = arith.index_cast %add3A_270 : i32 to index
          %swap3A_272 = tpu.vector_load %arg8[%swap3A_271] {strides = array<i32>} : memref<32768xf32, #tpu.memory_space<vmem>>, vector<16xf32>,
          tpu.vector_store %arg8[%swap3A_271], %get3A_268 {strides = array<i32>} : memref<32768xf32, #tpu.memory_space<vmem>>, vector<16xf32>,
          %get3A_273 = arith.index_cast %add3A_256 : i32 to index
          %get3A_274 = arith.constant 32 : index
          %get3A_275 = tpu.vector_load %arg7[%get3A_273, %get3A_274] {strides = array<i32>} : memref<256x50xf32, #tpu.memory_space<vmem>>, vector<16xf32>,
          %add3A_276 = arith.constant 32 : i32
          %add3A_277 = arith.addi %mul3A_258, %add3A_276 : i32
          %swap3A_278 = arith.index_cast %add3A_277 : i32 to index
          %swap3A_279 = tpu.vector_load %arg8[%swap3A_278] {strides = array<i32>} : memref<32768xf32, #tpu.memory_space<vmem>>, vector<16xf32>,
          tpu.vector_store %arg8[%swap3A_278], %get3A_275 {strides = array<i32>} : memref<32768xf32, #tpu.memory_space<vmem>>, vector<16xf32>,
          %get3A_280 = arith.index_cast %add3A_256 : i32 to index
          %get3A_281 = arith.constant 34 : index
          %get3A_282 = tpu.vector_load %arg7[%get3A_280, %get3A_281] {strides = array<i32>} : memref<256x50xf32, #tpu.memory_space<vmem>>, vector<16xf32>,
          %add3A_283 = arith.constant 34 : i32
          %add3A_284 = arith.addi %mul3A_258, %add3A_283 : i32
          %swap3A_285 = arith.index_cast %add3A_284 : i32 to index
          %swap3A_286 = tpu.vector_load %arg8[%swap3A_285] {strides = array<i32>} : memref<32768xf32, #tpu.memory_space<vmem>>, vector<16xf32>,
          tpu.vector_store %arg8[%swap3A_285], %get3A_282 {strides = array<i32>} : memref<32768xf32, #tpu.memory_space<vmem>>, vector<16xf32>,
          %scan3A_287 = arith.constant 7 : i32
          %scan3A_288 = arith.addi %scan3A_38, %scan3A_287 : i32
          %mul3A_289 = arith.constant 1 : i32
          %mul3A_290 = arith.muli %scan3A_288, %mul3A_289 : i32
          %add3A_291 = arith.constant 0 : i32
          %add3A_292 = arith.addi %add3A_291, %mul3A_290 : i32
          %mul3A_293 = arith.constant 128 : i32
          %mul3A_294 = arith.muli %add3A_292, %mul3A_293 : i32
          %get3A_295 = arith.index_cast %add3A_292 : i32 to index
          %get3A_296 = arith.constant 0 : index
          %get3A_297 = tpu.vector_load %arg7[%get3A_295, %get3A_296] {strides = array<i32>} : memref<256x50xf32, #tpu.memory_space<vmem>>, vector<16xf32>,
          %add3A_298 = arith.constant 0 : i32
          %add3A_299 = arith.addi %mul3A_294, %add3A_298 : i32
          %swap3A_300 = arith.index_cast %add3A_299 : i32 to index
          %swap3A_301 = tpu.vector_load %arg8[%swap3A_300] {strides = array<i32>} : memref<32768xf32, #tpu.memory_space<vmem>>, vector<16xf32>,
          tpu.vector_store %arg8[%swap3A_300], %get3A_297 {strides = array<i32>} : memref<32768xf32, #tpu.memory_space<vmem>>, vector<16xf32>,
          %get3A_302 = arith.index_cast %add3A_292 : i32 to index
          %get3A_303 = arith.constant 16 : index
          %get3A_304 = tpu.vector_load %arg7[%get3A_302, %get3A_303] {strides = array<i32>} : memref<256x50xf32, #tpu.memory_space<vmem>>, vector<16xf32>,
          %add3A_305 = arith.constant 16 : i32
          %add3A_306 = arith.addi %mul3A_294, %add3A_305 : i32
          %swap3A_307 = arith.index_cast %add3A_306 : i32 to index
          %swap3A_308 = tpu.vector_load %arg8[%swap3A_307] {strides = array<i32>} : memref<32768xf32, #tpu.memory_space<vmem>>, vector<16xf32>,
          tpu.vector_store %arg8[%swap3A_307], %get3A_304 {strides = array<i32>} : memref<32768xf32, #tpu.memory_space<vmem>>, vector<16xf32>,
          %get3A_309 = arith.index_cast %add3A_292 : i32 to index
          %get3A_310 = arith.constant 32 : index
          %get3A_311 = tpu.vector_load %arg7[%get3A_309, %get3A_310] {strides = array<i32>} : memref<256x50xf32, #tpu.memory_space<vmem>>, vector<16xf32>,
          %add3A_312 = arith.constant 32 : i32
          %add3A_313 = arith.addi %mul3A_294, %add3A_312 : i32
          %swap3A_314 = arith.index_cast %add3A_313 : i32 to index
          %swap3A_315 = tpu.vector_load %arg8[%swap3A_314] {strides = array<i32>} : memref<32768xf32, #tpu.memory_space<vmem>>, vector<16xf32>,
          tpu.vector_store %arg8[%swap3A_314], %get3A_311 {strides = array<i32>} : memref<32768xf32, #tpu.memory_space<vmem>>, vector<16xf32>,
          %get3A_316 = arith.index_cast %add3A_292 : i32 to index
          %get3A_317 = arith.constant 34 : index
          %get3A_318 = tpu.vector_load %arg7[%get3A_316, %get3A_317] {strides = array<i32>} : memref<256x50xf32, #tpu.memory_space<vmem>>, vector<16xf32>,
          %add3A_319 = arith.constant 34 : i32
          %add3A_320 = arith.addi %mul3A_294, %add3A_319 : i32
          %swap3A_321 = arith.index_cast %add3A_320 : i32 to index
          %swap3A_322 = tpu.vector_load %arg8[%swap3A_321] {strides = array<i32>} : memref<32768xf32, #tpu.memory_space<vmem>>, vector<16xf32>,
          tpu.vector_store %arg8[%swap3A_321], %get3A_318 {strides = array<i32>} : memref<32768xf32, #tpu.memory_space<vmem>>, vector<16xf32>,
        }
        %scan3A_35 = arith.constant 256 : i32
        %mul3A_36 = arith.constant 128 : i32
        %mul3A_37 = arith.muli %mul3A_30, %mul3A_36 : i32
        "tpu.region"() ({
          %run_scoped3A = tpu.sem_alloc : memref<!tpu.dma_semaphore, #tpu.memory_space<semaphore_mem>>
          %dma_start3A = tpu.memref_slice %arg5[%mul3A_37] : memref<12812288xf32, #tpu.memory_space<hbm>> -> memref<32768xf32, #tpu.memory_space<hbm>>
          %dma_start3A_38 = tpu.memref_slice %arg5[%mul3A_37] : memref<12812288xf32, #tpu.memory_space<hbm>> -> memref<32768xf32, #tpu.memory_space<hbm>>
          tpu.enqueue_dma source(%arg8 : memref<32768xf32, #tpu.memory_space<vmem>>) target(%dma_start3A_38 : memref<32768xf32, #tpu.memory_space<hbm>>) target_semaphore(%run_scoped3A : memref<!tpu.dma_semaphore, #tpu.memory_space<semaphore_mem>>)
          %dma_wait3A = tpu.memref_slice %arg5[%mul3A_37] : memref<12812288xf32, #tpu.memory_space<hbm>> -> memref<32768xf32, #tpu.memory_space<hbm>>
          %dma_wait3A_39 = tpu.memref_slice %arg5[%mul3A_37] : memref<12812288xf32, #tpu.memory_space<hbm>> -> memref<32768xf32, #tpu.memory_space<hbm>>
          tpu.wait_dma2 semaphore(%run_scoped3A : memref<!tpu.dma_semaphore, #tpu.memory_space<semaphore_mem>>) src(%arg8 : memref<32768xf32, #tpu.memory_space<vmem>>) dst(%dma_wait3A_39 : memref<32768xf32, #tpu.memory_space<hbm>>)
          tpu.yield
        }) : () -> ()
      } else {
      }
    }
    %scan3A_4 = arith.constant 13 : i32
    %eq3A = arith.constant 6 : i32
    %eq3A_5 = arith.cmpi eq, %add3A, %eq3A : i32
    %convert_element_type3A = arith.extui %eq3A_5 : i1 to i32
    %cond3A = arith.constant 0 : i32
    %cond3A_6 = arith.cmpi ne, %convert_element_type3A, %cond3A : i32
    scf.if %cond3A_6 {
      "tpu.region"() ({
        %run_scoped3A = tpu.sem_alloc : memref<!tpu.dma_semaphore, #tpu.memory_space<semaphore_mem>>
        %dma_start3A = arith.constant 99840 : i32
        %dma_start3A_22 = arith.constant 0 : i32
        %dma_start3A_23 = tpu.memref_slice %arg2[%dma_start3A, %dma_start3A_22] : memref<100002x50xf32, #tpu.memory_space<hbm>> -> memref<160x50xf32, #tpu.memory_space<hbm>>
        %dma_start3A_24 = arith.constant 99840 : i32
        %dma_start3A_25 = arith.constant 0 : i32
        %dma_start3A_26 = tpu.memref_slice %arg2[%dma_start3A_24, %dma_start3A_25] : memref<100002x50xf32, #tpu.memory_space<hbm>> -> memref<160x50xf32, #tpu.memory_space<hbm>>
        tpu.enqueue_dma source(%dma_start3A_26 : memref<160x50xf32, #tpu.memory_space<hbm>>) target(%arg9 : memref<160x50xf32, #tpu.memory_space<vmem>>) target_semaphore(%run_scoped3A : memref<!tpu.dma_semaphore, #tpu.memory_space<semaphore_mem>>)
        %dma_wait3A = arith.constant 99840 : i32
        %dma_wait3A_27 = arith.constant 0 : i32
        %dma_wait3A_28 = tpu.memref_slice %arg2[%dma_wait3A, %dma_wait3A_27] : memref<100002x50xf32, #tpu.memory_space<hbm>> -> memref<160x50xf32, #tpu.memory_space<hbm>>
        %dma_wait3A_29 = arith.constant 99840 : i32
        %dma_wait3A_30 = arith.constant 0 : i32
        %dma_wait3A_31 = tpu.memref_slice %arg2[%dma_wait3A_29, %dma_wait3A_30] : memref<100002x50xf32, #tpu.memory_space<hbm>> -> memref<160x50xf32, #tpu.memory_space<hbm>>
        tpu.wait_dma2 semaphore(%run_scoped3A : memref<!tpu.dma_semaphore, #tpu.memory_space<semaphore_mem>>) src(%dma_wait3A_31 : memref<160x50xf32, #tpu.memory_space<hbm>>) dst(%arg9 : memref<160x50xf32, #tpu.memory_space<vmem>>)
        tpu.yield
      }) : () -> ()
      %scan3A_17 = arith.constant 0 : i32
      %scan3A_18 = arith.constant 160 : i32
      %scan3A_19 = arith.addi %scan3A_17, %scan3A_18 : i32
      %scan3A_20 = arith.constant 8 : i32
      scf.for %scan3A_22 = %scan3A_17 to %scan3A_19 step %scan3A_20  : i32 {
        %mul3A_23 = arith.constant 1 : i32
        %mul3A_24 = arith.muli %scan3A_22, %mul3A_23 : i32
        %add3A_25 = arith.constant 0 : i32
        %add3A_26 = arith.addi %add3A_25, %mul3A_24 : i32
        %mul3A_27 = arith.constant 128 : i32
        %mul3A_28 = arith.muli %add3A_26, %mul3A_27 : i32
        %get3A = arith.index_cast %add3A_26 : i32 to index
        %get3A_29 = arith.constant 0 : index
        %get3A_30 = tpu.vector_load %arg9[%get3A, %get3A_29] {strides = array<i32>} : memref<160x50xf32, #tpu.memory_space<vmem>>, vector<16xf32>,
        %add3A_31 = arith.constant 0 : i32
        %add3A_32 = arith.addi %mul3A_28, %add3A_31 : i32
        %swap3A = arith.index_cast %add3A_32 : i32 to index
        %swap3A_33 = tpu.vector_load %arg10[%swap3A] {strides = array<i32>} : memref<20480xf32, #tpu.memory_space<vmem>>, vector<16xf32>,
        tpu.vector_store %arg10[%swap3A], %get3A_30 {strides = array<i32>} : memref<20480xf32, #tpu.memory_space<vmem>>, vector<16xf32>,
        %get3A_34 = arith.index_cast %add3A_26 : i32 to index
        %get3A_35 = arith.constant 16 : index
        %get3A_36 = tpu.vector_load %arg9[%get3A_34, %get3A_35] {strides = array<i32>} : memref<160x50xf32, #tpu.memory_space<vmem>>, vector<16xf32>,
        %add3A_37 = arith.constant 16 : i32
        %add3A_38 = arith.addi %mul3A_28, %add3A_37 : i32
        %swap3A_39 = arith.index_cast %add3A_38 : i32 to index
        %swap3A_40 = tpu.vector_load %arg10[%swap3A_39] {strides = array<i32>} : memref<20480xf32, #tpu.memory_space<vmem>>, vector<16xf32>,
        tpu.vector_store %arg10[%swap3A_39], %get3A_36 {strides = array<i32>} : memref<20480xf32, #tpu.memory_space<vmem>>, vector<16xf32>,
        %get3A_41 = arith.index_cast %add3A_26 : i32 to index
        %get3A_42 = arith.constant 32 : index
        %get3A_43 = tpu.vector_load %arg9[%get3A_41, %get3A_42] {strides = array<i32>} : memref<160x50xf32, #tpu.memory_space<vmem>>, vector<16xf32>,
        %add3A_44 = arith.constant 32 : i32
        %add3A_45 = arith.addi %mul3A_28, %add3A_44 : i32
        %swap3A_46 = arith.index_cast %add3A_45 : i32 to index
        %swap3A_47 = tpu.vector_load %arg10[%swap3A_46] {strides = array<i32>} : memref<20480xf32, #tpu.memory_space<vmem>>, vector<16xf32>,
        tpu.vector_store %arg10[%swap3A_46], %get3A_43 {strides = array<i32>} : memref<20480xf32, #tpu.memory_space<vmem>>, vector<16xf32>,
        %get3A_48 = arith.index_cast %add3A_26 : i32 to index
        %get3A_49 = arith.constant 34 : index
        %get3A_50 = tpu.vector_load %arg9[%get3A_48, %get3A_49] {strides = array<i32>} : memref<160x50xf32, #tpu.memory_space<vmem>>, vector<16xf32>,
        %add3A_51 = arith.constant 34 : i32
        %add3A_52 = arith.addi %mul3A_28, %add3A_51 : i32
        %swap3A_53 = arith.index_cast %add3A_52 : i32 to index
        %swap3A_54 = tpu.vector_load %arg10[%swap3A_53] {strides = array<i32>} : memref<20480xf32, #tpu.memory_space<vmem>>, vector<16xf32>,
        tpu.vector_store %arg10[%swap3A_53], %get3A_50 {strides = array<i32>} : memref<20480xf32, #tpu.memory_space<vmem>>, vector<16xf32>,
        %scan3A_55 = arith.constant 1 : i32
        %scan3A_56 = arith.addi %scan3A_22, %scan3A_55 : i32
        %mul3A_57 = arith.constant 1 : i32
        %mul3A_58 = arith.muli %scan3A_56, %mul3A_57 : i32
        %add3A_59 = arith.constant 0 : i32
        %add3A_60 = arith.addi %add3A_59, %mul3A_58 : i32
        %mul3A_61 = arith.constant 128 : i32
        %mul3A_62 = arith.muli %add3A_60, %mul3A_61 : i32
        %get3A_63 = arith.index_cast %add3A_60 : i32 to index
        %get3A_64 = arith.constant 0 : index
        %get3A_65 = tpu.vector_load %arg9[%get3A_63, %get3A_64] {strides = array<i32>} : memref<160x50xf32, #tpu.memory_space<vmem>>, vector<16xf32>,
        %add3A_66 = arith.constant 0 : i32
        %add3A_67 = arith.addi %mul3A_62, %add3A_66 : i32
        %swap3A_68 = arith.index_cast %add3A_67 : i32 to index
        %swap3A_69 = tpu.vector_load %arg10[%swap3A_68] {strides = array<i32>} : memref<20480xf32, #tpu.memory_space<vmem>>, vector<16xf32>,
        tpu.vector_store %arg10[%swap3A_68], %get3A_65 {strides = array<i32>} : memref<20480xf32, #tpu.memory_space<vmem>>, vector<16xf32>,
        %get3A_70 = arith.index_cast %add3A_60 : i32 to index
        %get3A_71 = arith.constant 16 : index
        %get3A_72 = tpu.vector_load %arg9[%get3A_70, %get3A_71] {strides = array<i32>} : memref<160x50xf32, #tpu.memory_space<vmem>>, vector<16xf32>,
        %add3A_73 = arith.constant 16 : i32
        %add3A_74 = arith.addi %mul3A_62, %add3A_73 : i32
        %swap3A_75 = arith.index_cast %add3A_74 : i32 to index
        %swap3A_76 = tpu.vector_load %arg10[%swap3A_75] {strides = array<i32>} : memref<20480xf32, #tpu.memory_space<vmem>>, vector<16xf32>,
        tpu.vector_store %arg10[%swap3A_75], %get3A_72 {strides = array<i32>} : memref<20480xf32, #tpu.memory_space<vmem>>, vector<16xf32>,
        %get3A_77 = arith.index_cast %add3A_60 : i32 to index
        %get3A_78 = arith.constant 32 : index
        %get3A_79 = tpu.vector_load %arg9[%get3A_77, %get3A_78] {strides = array<i32>} : memref<160x50xf32, #tpu.memory_space<vmem>>, vector<16xf32>,
        %add3A_80 = arith.constant 32 : i32
        %add3A_81 = arith.addi %mul3A_62, %add3A_80 : i32
        %swap3A_82 = arith.index_cast %add3A_81 : i32 to index
        %swap3A_83 = tpu.vector_load %arg10[%swap3A_82] {strides = array<i32>} : memref<20480xf32, #tpu.memory_space<vmem>>, vector<16xf32>,
        tpu.vector_store %arg10[%swap3A_82], %get3A_79 {strides = array<i32>} : memref<20480xf32, #tpu.memory_space<vmem>>, vector<16xf32>,
        %get3A_84 = arith.index_cast %add3A_60 : i32 to index
        %get3A_85 = arith.constant 34 : index
        %get3A_86 = tpu.vector_load %arg9[%get3A_84, %get3A_85] {strides = array<i32>} : memref<160x50xf32, #tpu.memory_space<vmem>>, vector<16xf32>,
        %add3A_87 = arith.constant 34 : i32
        %add3A_88 = arith.addi %mul3A_62, %add3A_87 : i32
        %swap3A_89 = arith.index_cast %add3A_88 : i32 to index
        %swap3A_90 = tpu.vector_load %arg10[%swap3A_89] {strides = array<i32>} : memref<20480xf32, #tpu.memory_space<vmem>>, vector<16xf32>,
        tpu.vector_store %arg10[%swap3A_89], %get3A_86 {strides = array<i32>} : memref<20480xf32, #tpu.memory_space<vmem>>, vector<16xf32>,
        %scan3A_91 = arith.constant 2 : i32
        %scan3A_92 = arith.addi %scan3A_22, %scan3A_91 : i32
        %mul3A_93 = arith.constant 1 : i32
        %mul3A_94 = arith.muli %scan3A_92, %mul3A_93 : i32
        %add3A_95 = arith.constant 0 : i32
        %add3A_96 = arith.addi %add3A_95, %mul3A_94 : i32
        %mul3A_97 = arith.constant 128 : i32
        %mul3A_98 = arith.muli %add3A_96, %mul3A_97 : i32
        %get3A_99 = arith.index_cast %add3A_96 : i32 to index
        %get3A_100 = arith.constant 0 : index
        %get3A_101 = tpu.vector_load %arg9[%get3A_99, %get3A_100] {strides = array<i32>} : memref<160x50xf32, #tpu.memory_space<vmem>>, vector<16xf32>,
        %add3A_102 = arith.constant 0 : i32
        %add3A_103 = arith.addi %mul3A_98, %add3A_102 : i32
        %swap3A_104 = arith.index_cast %add3A_103 : i32 to index
        %swap3A_105 = tpu.vector_load %arg10[%swap3A_104] {strides = array<i32>} : memref<20480xf32, #tpu.memory_space<vmem>>, vector<16xf32>,
        tpu.vector_store %arg10[%swap3A_104], %get3A_101 {strides = array<i32>} : memref<20480xf32, #tpu.memory_space<vmem>>, vector<16xf32>,
        %get3A_106 = arith.index_cast %add3A_96 : i32 to index
        %get3A_107 = arith.constant 16 : index
        %get3A_108 = tpu.vector_load %arg9[%get3A_106, %get3A_107] {strides = array<i32>} : memref<160x50xf32, #tpu.memory_space<vmem>>, vector<16xf32>,
        %add3A_109 = arith.constant 16 : i32
        %add3A_110 = arith.addi %mul3A_98, %add3A_109 : i32
        %swap3A_111 = arith.index_cast %add3A_110 : i32 to index
        %swap3A_112 = tpu.vector_load %arg10[%swap3A_111] {strides = array<i32>} : memref<20480xf32, #tpu.memory_space<vmem>>, vector<16xf32>,
        tpu.vector_store %arg10[%swap3A_111], %get3A_108 {strides = array<i32>} : memref<20480xf32, #tpu.memory_space<vmem>>, vector<16xf32>,
        %get3A_113 = arith.index_cast %add3A_96 : i32 to index
        %get3A_114 = arith.constant 32 : index
        %get3A_115 = tpu.vector_load %arg9[%get3A_113, %get3A_114] {strides = array<i32>} : memref<160x50xf32, #tpu.memory_space<vmem>>, vector<16xf32>,
        %add3A_116 = arith.constant 32 : i32
        %add3A_117 = arith.addi %mul3A_98, %add3A_116 : i32
        %swap3A_118 = arith.index_cast %add3A_117 : i32 to index
        %swap3A_119 = tpu.vector_load %arg10[%swap3A_118] {strides = array<i32>} : memref<20480xf32, #tpu.memory_space<vmem>>, vector<16xf32>,
        tpu.vector_store %arg10[%swap3A_118], %get3A_115 {strides = array<i32>} : memref<20480xf32, #tpu.memory_space<vmem>>, vector<16xf32>,
        %get3A_120 = arith.index_cast %add3A_96 : i32 to index
        %get3A_121 = arith.constant 34 : index
        %get3A_122 = tpu.vector_load %arg9[%get3A_120, %get3A_121] {strides = array<i32>} : memref<160x50xf32, #tpu.memory_space<vmem>>, vector<16xf32>,
        %add3A_123 = arith.constant 34 : i32
        %add3A_124 = arith.addi %mul3A_98, %add3A_123 : i32
        %swap3A_125 = arith.index_cast %add3A_124 : i32 to index
        %swap3A_126 = tpu.vector_load %arg10[%swap3A_125] {strides = array<i32>} : memref<20480xf32, #tpu.memory_space<vmem>>, vector<16xf32>,
        tpu.vector_store %arg10[%swap3A_125], %get3A_122 {strides = array<i32>} : memref<20480xf32, #tpu.memory_space<vmem>>, vector<16xf32>,
        %scan3A_127 = arith.constant 3 : i32
        %scan3A_128 = arith.addi %scan3A_22, %scan3A_127 : i32
        %mul3A_129 = arith.constant 1 : i32
        %mul3A_130 = arith.muli %scan3A_128, %mul3A_129 : i32
        %add3A_131 = arith.constant 0 : i32
        %add3A_132 = arith.addi %add3A_131, %mul3A_130 : i32
        %mul3A_133 = arith.constant 128 : i32
        %mul3A_134 = arith.muli %add3A_132, %mul3A_133 : i32
        %get3A_135 = arith.index_cast %add3A_132 : i32 to index
        %get3A_136 = arith.constant 0 : index
        %get3A_137 = tpu.vector_load %arg9[%get3A_135, %get3A_136] {strides = array<i32>} : memref<160x50xf32, #tpu.memory_space<vmem>>, vector<16xf32>,
        %add3A_138 = arith.constant 0 : i32
        %add3A_139 = arith.addi %mul3A_134, %add3A_138 : i32
        %swap3A_140 = arith.index_cast %add3A_139 : i32 to index
        %swap3A_141 = tpu.vector_load %arg10[%swap3A_140] {strides = array<i32>} : memref<20480xf32, #tpu.memory_space<vmem>>, vector<16xf32>,
        tpu.vector_store %arg10[%swap3A_140], %get3A_137 {strides = array<i32>} : memref<20480xf32, #tpu.memory_space<vmem>>, vector<16xf32>,
        %get3A_142 = arith.index_cast %add3A_132 : i32 to index
        %get3A_143 = arith.constant 16 : index
        %get3A_144 = tpu.vector_load %arg9[%get3A_142, %get3A_143] {strides = array<i32>} : memref<160x50xf32, #tpu.memory_space<vmem>>, vector<16xf32>,
        %add3A_145 = arith.constant 16 : i32
        %add3A_146 = arith.addi %mul3A_134, %add3A_145 : i32
        %swap3A_147 = arith.index_cast %add3A_146 : i32 to index
        %swap3A_148 = tpu.vector_load %arg10[%swap3A_147] {strides = array<i32>} : memref<20480xf32, #tpu.memory_space<vmem>>, vector<16xf32>,
        tpu.vector_store %arg10[%swap3A_147], %get3A_144 {strides = array<i32>} : memref<20480xf32, #tpu.memory_space<vmem>>, vector<16xf32>,
        %get3A_149 = arith.index_cast %add3A_132 : i32 to index
        %get3A_150 = arith.constant 32 : index
        %get3A_151 = tpu.vector_load %arg9[%get3A_149, %get3A_150] {strides = array<i32>} : memref<160x50xf32, #tpu.memory_space<vmem>>, vector<16xf32>,
        %add3A_152 = arith.constant 32 : i32
        %add3A_153 = arith.addi %mul3A_134, %add3A_152 : i32
        %swap3A_154 = arith.index_cast %add3A_153 : i32 to index
        %swap3A_155 = tpu.vector_load %arg10[%swap3A_154] {strides = array<i32>} : memref<20480xf32, #tpu.memory_space<vmem>>, vector<16xf32>,
        tpu.vector_store %arg10[%swap3A_154], %get3A_151 {strides = array<i32>} : memref<20480xf32, #tpu.memory_space<vmem>>, vector<16xf32>,
        %get3A_156 = arith.index_cast %add3A_132 : i32 to index
        %get3A_157 = arith.constant 34 : index
        %get3A_158 = tpu.vector_load %arg9[%get3A_156, %get3A_157] {strides = array<i32>} : memref<160x50xf32, #tpu.memory_space<vmem>>, vector<16xf32>,
        %add3A_159 = arith.constant 34 : i32
        %add3A_160 = arith.addi %mul3A_134, %add3A_159 : i32
        %swap3A_161 = arith.index_cast %add3A_160 : i32 to index
        %swap3A_162 = tpu.vector_load %arg10[%swap3A_161] {strides = array<i32>} : memref<20480xf32, #tpu.memory_space<vmem>>, vector<16xf32>,
        tpu.vector_store %arg10[%swap3A_161], %get3A_158 {strides = array<i32>} : memref<20480xf32, #tpu.memory_space<vmem>>, vector<16xf32>,
        %scan3A_163 = arith.constant 4 : i32
        %scan3A_164 = arith.addi %scan3A_22, %scan3A_163 : i32
        %mul3A_165 = arith.constant 1 : i32
        %mul3A_166 = arith.muli %scan3A_164, %mul3A_165 : i32
        %add3A_167 = arith.constant 0 : i32
        %add3A_168 = arith.addi %add3A_167, %mul3A_166 : i32
        %mul3A_169 = arith.constant 128 : i32
        %mul3A_170 = arith.muli %add3A_168, %mul3A_169 : i32
        %get3A_171 = arith.index_cast %add3A_168 : i32 to index
        %get3A_172 = arith.constant 0 : index
        %get3A_173 = tpu.vector_load %arg9[%get3A_171, %get3A_172] {strides = array<i32>} : memref<160x50xf32, #tpu.memory_space<vmem>>, vector<16xf32>,
        %add3A_174 = arith.constant 0 : i32
        %add3A_175 = arith.addi %mul3A_170, %add3A_174 : i32
        %swap3A_176 = arith.index_cast %add3A_175 : i32 to index
        %swap3A_177 = tpu.vector_load %arg10[%swap3A_176] {strides = array<i32>} : memref<20480xf32, #tpu.memory_space<vmem>>, vector<16xf32>,
        tpu.vector_store %arg10[%swap3A_176], %get3A_173 {strides = array<i32>} : memref<20480xf32, #tpu.memory_space<vmem>>, vector<16xf32>,
        %get3A_178 = arith.index_cast %add3A_168 : i32 to index
        %get3A_179 = arith.constant 16 : index
        %get3A_180 = tpu.vector_load %arg9[%get3A_178, %get3A_179] {strides = array<i32>} : memref<160x50xf32, #tpu.memory_space<vmem>>, vector<16xf32>,
        %add3A_181 = arith.constant 16 : i32
        %add3A_182 = arith.addi %mul3A_170, %add3A_181 : i32
        %swap3A_183 = arith.index_cast %add3A_182 : i32 to index
        %swap3A_184 = tpu.vector_load %arg10[%swap3A_183] {strides = array<i32>} : memref<20480xf32, #tpu.memory_space<vmem>>, vector<16xf32>,
        tpu.vector_store %arg10[%swap3A_183], %get3A_180 {strides = array<i32>} : memref<20480xf32, #tpu.memory_space<vmem>>, vector<16xf32>,
        %get3A_185 = arith.index_cast %add3A_168 : i32 to index
        %get3A_186 = arith.constant 32 : index
        %get3A_187 = tpu.vector_load %arg9[%get3A_185, %get3A_186] {strides = array<i32>} : memref<160x50xf32, #tpu.memory_space<vmem>>, vector<16xf32>,
        %add3A_188 = arith.constant 32 : i32
        %add3A_189 = arith.addi %mul3A_170, %add3A_188 : i32
        %swap3A_190 = arith.index_cast %add3A_189 : i32 to index
        %swap3A_191 = tpu.vector_load %arg10[%swap3A_190] {strides = array<i32>} : memref<20480xf32, #tpu.memory_space<vmem>>, vector<16xf32>,
        tpu.vector_store %arg10[%swap3A_190], %get3A_187 {strides = array<i32>} : memref<20480xf32, #tpu.memory_space<vmem>>, vector<16xf32>,
        %get3A_192 = arith.index_cast %add3A_168 : i32 to index
        %get3A_193 = arith.constant 34 : index
        %get3A_194 = tpu.vector_load %arg9[%get3A_192, %get3A_193] {strides = array<i32>} : memref<160x50xf32, #tpu.memory_space<vmem>>, vector<16xf32>,
        %add3A_195 = arith.constant 34 : i32
        %add3A_196 = arith.addi %mul3A_170, %add3A_195 : i32
        %swap3A_197 = arith.index_cast %add3A_196 : i32 to index
        %swap3A_198 = tpu.vector_load %arg10[%swap3A_197] {strides = array<i32>} : memref<20480xf32, #tpu.memory_space<vmem>>, vector<16xf32>,
        tpu.vector_store %arg10[%swap3A_197], %get3A_194 {strides = array<i32>} : memref<20480xf32, #tpu.memory_space<vmem>>, vector<16xf32>,
        %scan3A_199 = arith.constant 5 : i32
        %scan3A_200 = arith.addi %scan3A_22, %scan3A_199 : i32
        %mul3A_201 = arith.constant 1 : i32
        %mul3A_202 = arith.muli %scan3A_200, %mul3A_201 : i32
        %add3A_203 = arith.constant 0 : i32
        %add3A_204 = arith.addi %add3A_203, %mul3A_202 : i32
        %mul3A_205 = arith.constant 128 : i32
        %mul3A_206 = arith.muli %add3A_204, %mul3A_205 : i32
        %get3A_207 = arith.index_cast %add3A_204 : i32 to index
        %get3A_208 = arith.constant 0 : index
        %get3A_209 = tpu.vector_load %arg9[%get3A_207, %get3A_208] {strides = array<i32>} : memref<160x50xf32, #tpu.memory_space<vmem>>, vector<16xf32>,
        %add3A_210 = arith.constant 0 : i32
        %add3A_211 = arith.addi %mul3A_206, %add3A_210 : i32
        %swap3A_212 = arith.index_cast %add3A_211 : i32 to index
        %swap3A_213 = tpu.vector_load %arg10[%swap3A_212] {strides = array<i32>} : memref<20480xf32, #tpu.memory_space<vmem>>, vector<16xf32>,
        tpu.vector_store %arg10[%swap3A_212], %get3A_209 {strides = array<i32>} : memref<20480xf32, #tpu.memory_space<vmem>>, vector<16xf32>,
        %get3A_214 = arith.index_cast %add3A_204 : i32 to index
        %get3A_215 = arith.constant 16 : index
        %get3A_216 = tpu.vector_load %arg9[%get3A_214, %get3A_215] {strides = array<i32>} : memref<160x50xf32, #tpu.memory_space<vmem>>, vector<16xf32>,
        %add3A_217 = arith.constant 16 : i32
        %add3A_218 = arith.addi %mul3A_206, %add3A_217 : i32
        %swap3A_219 = arith.index_cast %add3A_218 : i32 to index
        %swap3A_220 = tpu.vector_load %arg10[%swap3A_219] {strides = array<i32>} : memref<20480xf32, #tpu.memory_space<vmem>>, vector<16xf32>,
        tpu.vector_store %arg10[%swap3A_219], %get3A_216 {strides = array<i32>} : memref<20480xf32, #tpu.memory_space<vmem>>, vector<16xf32>,
        %get3A_221 = arith.index_cast %add3A_204 : i32 to index
        %get3A_222 = arith.constant 32 : index
        %get3A_223 = tpu.vector_load %arg9[%get3A_221, %get3A_222] {strides = array<i32>} : memref<160x50xf32, #tpu.memory_space<vmem>>, vector<16xf32>,
        %add3A_224 = arith.constant 32 : i32
        %add3A_225 = arith.addi %mul3A_206, %add3A_224 : i32
        %swap3A_226 = arith.index_cast %add3A_225 : i32 to index
        %swap3A_227 = tpu.vector_load %arg10[%swap3A_226] {strides = array<i32>} : memref<20480xf32, #tpu.memory_space<vmem>>, vector<16xf32>,
        tpu.vector_store %arg10[%swap3A_226], %get3A_223 {strides = array<i32>} : memref<20480xf32, #tpu.memory_space<vmem>>, vector<16xf32>,
        %get3A_228 = arith.index_cast %add3A_204 : i32 to index
        %get3A_229 = arith.constant 34 : index
        %get3A_230 = tpu.vector_load %arg9[%get3A_228, %get3A_229] {strides = array<i32>} : memref<160x50xf32, #tpu.memory_space<vmem>>, vector<16xf32>,
        %add3A_231 = arith.constant 34 : i32
        %add3A_232 = arith.addi %mul3A_206, %add3A_231 : i32
        %swap3A_233 = arith.index_cast %add3A_232 : i32 to index
        %swap3A_234 = tpu.vector_load %arg10[%swap3A_233] {strides = array<i32>} : memref<20480xf32, #tpu.memory_space<vmem>>, vector<16xf32>,
        tpu.vector_store %arg10[%swap3A_233], %get3A_230 {strides = array<i32>} : memref<20480xf32, #tpu.memory_space<vmem>>, vector<16xf32>,
        %scan3A_235 = arith.constant 6 : i32
        %scan3A_236 = arith.addi %scan3A_22, %scan3A_235 : i32
        %mul3A_237 = arith.constant 1 : i32
        %mul3A_238 = arith.muli %scan3A_236, %mul3A_237 : i32
        %add3A_239 = arith.constant 0 : i32
        %add3A_240 = arith.addi %add3A_239, %mul3A_238 : i32
        %mul3A_241 = arith.constant 128 : i32
        %mul3A_242 = arith.muli %add3A_240, %mul3A_241 : i32
        %get3A_243 = arith.index_cast %add3A_240 : i32 to index
        %get3A_244 = arith.constant 0 : index
        %get3A_245 = tpu.vector_load %arg9[%get3A_243, %get3A_244] {strides = array<i32>} : memref<160x50xf32, #tpu.memory_space<vmem>>, vector<16xf32>,
        %add3A_246 = arith.constant 0 : i32
        %add3A_247 = arith.addi %mul3A_242, %add3A_246 : i32
        %swap3A_248 = arith.index_cast %add3A_247 : i32 to index
        %swap3A_249 = tpu.vector_load %arg10[%swap3A_248] {strides = array<i32>} : memref<20480xf32, #tpu.memory_space<vmem>>, vector<16xf32>,
        tpu.vector_store %arg10[%swap3A_248], %get3A_245 {strides = array<i32>} : memref<20480xf32, #tpu.memory_space<vmem>>, vector<16xf32>,
        %get3A_250 = arith.index_cast %add3A_240 : i32 to index
        %get3A_251 = arith.constant 16 : index
        %get3A_252 = tpu.vector_load %arg9[%get3A_250, %get3A_251] {strides = array<i32>} : memref<160x50xf32, #tpu.memory_space<vmem>>, vector<16xf32>,
        %add3A_253 = arith.constant 16 : i32
        %add3A_254 = arith.addi %mul3A_242, %add3A_253 : i32
        %swap3A_255 = arith.index_cast %add3A_254 : i32 to index
        %swap3A_256 = tpu.vector_load %arg10[%swap3A_255] {strides = array<i32>} : memref<20480xf32, #tpu.memory_space<vmem>>, vector<16xf32>,
        tpu.vector_store %arg10[%swap3A_255], %get3A_252 {strides = array<i32>} : memref<20480xf32, #tpu.memory_space<vmem>>, vector<16xf32>,
        %get3A_257 = arith.index_cast %add3A_240 : i32 to index
        %get3A_258 = arith.constant 32 : index
        %get3A_259 = tpu.vector_load %arg9[%get3A_257, %get3A_258] {strides = array<i32>} : memref<160x50xf32, #tpu.memory_space<vmem>>, vector<16xf32>,
        %add3A_260 = arith.constant 32 : i32
        %add3A_261 = arith.addi %mul3A_242, %add3A_260 : i32
        %swap3A_262 = arith.index_cast %add3A_261 : i32 to index
        %swap3A_263 = tpu.vector_load %arg10[%swap3A_262] {strides = array<i32>} : memref<20480xf32, #tpu.memory_space<vmem>>, vector<16xf32>,
        tpu.vector_store %arg10[%swap3A_262], %get3A_259 {strides = array<i32>} : memref<20480xf32, #tpu.memory_space<vmem>>, vector<16xf32>,
        %get3A_264 = arith.index_cast %add3A_240 : i32 to index
        %get3A_265 = arith.constant 34 : index
        %get3A_266 = tpu.vector_load %arg9[%get3A_264, %get3A_265] {strides = array<i32>} : memref<160x50xf32, #tpu.memory_space<vmem>>, vector<16xf32>,
        %add3A_267 = arith.constant 34 : i32
        %add3A_268 = arith.addi %mul3A_242, %add3A_267 : i32
        %swap3A_269 = arith.index_cast %add3A_268 : i32 to index
        %swap3A_270 = tpu.vector_load %arg10[%swap3A_269] {strides = array<i32>} : memref<20480xf32, #tpu.memory_space<vmem>>, vector<16xf32>,
        tpu.vector_store %arg10[%swap3A_269], %get3A_266 {strides = array<i32>} : memref<20480xf32, #tpu.memory_space<vmem>>, vector<16xf32>,
        %scan3A_271 = arith.constant 7 : i32
        %scan3A_272 = arith.addi %scan3A_22, %scan3A_271 : i32
        %mul3A_273 = arith.constant 1 : i32
        %mul3A_274 = arith.muli %scan3A_272, %mul3A_273 : i32
        %add3A_275 = arith.constant 0 : i32
        %add3A_276 = arith.addi %add3A_275, %mul3A_274 : i32
        %mul3A_277 = arith.constant 128 : i32
        %mul3A_278 = arith.muli %add3A_276, %mul3A_277 : i32
        %get3A_279 = arith.index_cast %add3A_276 : i32 to index
        %get3A_280 = arith.constant 0 : index
        %get3A_281 = tpu.vector_load %arg9[%get3A_279, %get3A_280] {strides = array<i32>} : memref<160x50xf32, #tpu.memory_space<vmem>>, vector<16xf32>,
        %add3A_282 = arith.constant 0 : i32
        %add3A_283 = arith.addi %mul3A_278, %add3A_282 : i32
        %swap3A_284 = arith.index_cast %add3A_283 : i32 to index
        %swap3A_285 = tpu.vector_load %arg10[%swap3A_284] {strides = array<i32>} : memref<20480xf32, #tpu.memory_space<vmem>>, vector<16xf32>,
        tpu.vector_store %arg10[%swap3A_284], %get3A_281 {strides = array<i32>} : memref<20480xf32, #tpu.memory_space<vmem>>, vector<16xf32>,
        %get3A_286 = arith.index_cast %add3A_276 : i32 to index
        %get3A_287 = arith.constant 16 : index
        %get3A_288 = tpu.vector_load %arg9[%get3A_286, %get3A_287] {strides = array<i32>} : memref<160x50xf32, #tpu.memory_space<vmem>>, vector<16xf32>,
        %add3A_289 = arith.constant 16 : i32
        %add3A_290 = arith.addi %mul3A_278, %add3A_289 : i32
        %swap3A_291 = arith.index_cast %add3A_290 : i32 to index
        %swap3A_292 = tpu.vector_load %arg10[%swap3A_291] {strides = array<i32>} : memref<20480xf32, #tpu.memory_space<vmem>>, vector<16xf32>,
        tpu.vector_store %arg10[%swap3A_291], %get3A_288 {strides = array<i32>} : memref<20480xf32, #tpu.memory_space<vmem>>, vector<16xf32>,
        %get3A_293 = arith.index_cast %add3A_276 : i32 to index
        %get3A_294 = arith.constant 32 : index
        %get3A_295 = tpu.vector_load %arg9[%get3A_293, %get3A_294] {strides = array<i32>} : memref<160x50xf32, #tpu.memory_space<vmem>>, vector<16xf32>,
        %add3A_296 = arith.constant 32 : i32
        %add3A_297 = arith.addi %mul3A_278, %add3A_296 : i32
        %swap3A_298 = arith.index_cast %add3A_297 : i32 to index
        %swap3A_299 = tpu.vector_load %arg10[%swap3A_298] {strides = array<i32>} : memref<20480xf32, #tpu.memory_space<vmem>>, vector<16xf32>,
        tpu.vector_store %arg10[%swap3A_298], %get3A_295 {strides = array<i32>} : memref<20480xf32, #tpu.memory_space<vmem>>, vector<16xf32>,
        %get3A_300 = arith.index_cast %add3A_276 : i32 to index
        %get3A_301 = arith.constant 34 : index
        %get3A_302 = tpu.vector_load %arg9[%get3A_300, %get3A_301] {strides = array<i32>} : memref<160x50xf32, #tpu.memory_space<vmem>>, vector<16xf32>,
        %add3A_303 = arith.constant 34 : i32
        %add3A_304 = arith.addi %mul3A_278, %add3A_303 : i32
        %swap3A_305 = arith.index_cast %add3A_304 : i32 to index
        %swap3A_306 = tpu.vector_load %arg10[%swap3A_305] {strides = array<i32>} : memref<20480xf32, #tpu.memory_space<vmem>>, vector<16xf32>,
        tpu.vector_store %arg10[%swap3A_305], %get3A_302 {strides = array<i32>} : memref<20480xf32, #tpu.memory_space<vmem>>, vector<16xf32>,
      }
      %scan3A_21 = arith.constant 160 : i32
      "tpu.region"() ({
        %run_scoped3A = tpu.sem_alloc : memref<!tpu.dma_semaphore, #tpu.memory_space<semaphore_mem>>
        %dma_start3A = arith.constant 12779520 : i32
        %dma_start3A_22 = tpu.memref_slice %arg5[%dma_start3A] : memref<12812288xf32, #tpu.memory_space<hbm>> -> memref<20480xf32, #tpu.memory_space<hbm>>
        %dma_start3A_23 = arith.constant 12779520 : i32
        %dma_start3A_24 = tpu.memref_slice %arg5[%dma_start3A_23] : memref<12812288xf32, #tpu.memory_space<hbm>> -> memref<20480xf32, #tpu.memory_space<hbm>>
        tpu.enqueue_dma source(%arg10 : memref<20480xf32, #tpu.memory_space<vmem>>) target(%dma_start3A_24 : memref<20480xf32, #tpu.memory_space<hbm>>) target_semaphore(%run_scoped3A : memref<!tpu.dma_semaphore, #tpu.memory_space<semaphore_mem>>)
        %dma_wait3A = arith.constant 12779520 : i32
        %dma_wait3A_25 = tpu.memref_slice %arg5[%dma_wait3A] : memref<12812288xf32, #tpu.memory_space<hbm>> -> memref<20480xf32, #tpu.memory_space<hbm>>
        %dma_wait3A_26 = arith.constant 12779520 : i32
        %dma_wait3A_27 = tpu.memref_slice %arg5[%dma_wait3A_26] : memref<12812288xf32, #tpu.memory_space<hbm>> -> memref<20480xf32, #tpu.memory_space<hbm>>
        tpu.wait_dma2 semaphore(%run_scoped3A : memref<!tpu.dma_semaphore, #tpu.memory_space<semaphore_mem>>) src(%arg10 : memref<20480xf32, #tpu.memory_space<vmem>>) dst(%dma_wait3A_27 : memref<20480xf32, #tpu.memory_space<hbm>>)
        tpu.yield
      }) : () -> ()
    } else {
    }
    %eq3A_7 = arith.constant 0 : i32
    %eq3A_8 = arith.cmpi eq, %add3A, %eq3A_7 : i32
    %convert_element_type3A_9 = arith.extui %eq3A_8 : i1 to i32
    %cond3A_10 = arith.constant 0 : i32
    %cond3A_11 = arith.cmpi ne, %convert_element_type3A_9, %cond3A_10 : i32
    scf.if %cond3A_11 {
      "tpu.region"() ({
        %run_scoped3A = tpu.sem_alloc : memref<!tpu.dma_semaphore, #tpu.memory_space<semaphore_mem>>
        tpu.enqueue_dma source(%arg3 : memref<2000xf32, #tpu.memory_space<hbm>>) target(%arg11 : memref<2000xf32, #tpu.memory_space<vmem>>) target_semaphore(%run_scoped3A : memref<!tpu.dma_semaphore, #tpu.memory_space<semaphore_mem>>)
        tpu.wait_dma2 semaphore(%run_scoped3A : memref<!tpu.dma_semaphore, #tpu.memory_space<semaphore_mem>>) src(%arg3 : memref<2000xf32, #tpu.memory_space<hbm>>) dst(%arg11 : memref<2000xf32, #tpu.memory_space<vmem>>)
        tpu.yield
      }) : () -> ()
      "tpu.region"() ({
        %run_scoped3A = tpu.sem_alloc : memref<!tpu.dma_semaphore, #tpu.memory_space<semaphore_mem>>
        %dma_start3A = arith.constant 0 : i32
        %dma_start3A_17 = tpu.memref_slice %arg6[%dma_start3A] : memref<4000xf32, #tpu.memory_space<hbm>> -> memref<2000xf32, #tpu.memory_space<hbm>>
        %dma_start3A_18 = arith.constant 0 : i32
        %dma_start3A_19 = tpu.memref_slice %arg6[%dma_start3A_18] : memref<4000xf32, #tpu.memory_space<hbm>> -> memref<2000xf32, #tpu.memory_space<hbm>>
        tpu.enqueue_dma source(%arg11 : memref<2000xf32, #tpu.memory_space<vmem>>) target(%dma_start3A_19 : memref<2000xf32, #tpu.memory_space<hbm>>) target_semaphore(%run_scoped3A : memref<!tpu.dma_semaphore, #tpu.memory_space<semaphore_mem>>)
        %dma_wait3A = arith.constant 0 : i32
        %dma_wait3A_20 = tpu.memref_slice %arg6[%dma_wait3A] : memref<4000xf32, #tpu.memory_space<hbm>> -> memref<2000xf32, #tpu.memory_space<hbm>>
        %dma_wait3A_21 = arith.constant 0 : i32
        %dma_wait3A_22 = tpu.memref_slice %arg6[%dma_wait3A_21] : memref<4000xf32, #tpu.memory_space<hbm>> -> memref<2000xf32, #tpu.memory_space<hbm>>
        tpu.wait_dma2 semaphore(%run_scoped3A : memref<!tpu.dma_semaphore, #tpu.memory_space<semaphore_mem>>) src(%arg11 : memref<2000xf32, #tpu.memory_space<vmem>>) dst(%dma_wait3A_22 : memref<2000xf32, #tpu.memory_space<hbm>>)
        tpu.yield
      }) : () -> ()
    } else {
    }
    %eq3A_12 = arith.constant 1 : i32
    %eq3A_13 = arith.cmpi eq, %add3A, %eq3A_12 : i32
    %convert_element_type3A_14 = arith.extui %eq3A_13 : i1 to i32
    %cond3A_15 = arith.constant 0 : i32
    %cond3A_16 = arith.cmpi ne, %convert_element_type3A_14, %cond3A_15 : i32
    scf.if %cond3A_16 {
      "tpu.region"() ({
        %run_scoped3A = tpu.sem_alloc : memref<!tpu.dma_semaphore, #tpu.memory_space<semaphore_mem>>
        tpu.enqueue_dma source(%arg4 : memref<2000xf32, #tpu.memory_space<hbm>>) target(%arg11 : memref<2000xf32, #tpu.memory_space<vmem>>) target_semaphore(%run_scoped3A : memref<!tpu.dma_semaphore, #tpu.memory_space<semaphore_mem>>)
        tpu.wait_dma2 semaphore(%run_scoped3A : memref<!tpu.dma_semaphore, #tpu.memory_space<semaphore_mem>>) src(%arg4 : memref<2000xf32, #tpu.memory_space<hbm>>) dst(%arg11 : memref<2000xf32, #tpu.memory_space<vmem>>)
        tpu.yield
      }) : () -> ()
      "tpu.region"() ({
        %run_scoped3A = tpu.sem_alloc : memref<!tpu.dma_semaphore, #tpu.memory_space<semaphore_mem>>
        %dma_start3A = arith.constant 2000 : i32
        %dma_start3A_17 = tpu.memref_slice %arg6[%dma_start3A] : memref<4000xf32, #tpu.memory_space<hbm>> -> memref<2000xf32, #tpu.memory_space<hbm>>
        %dma_start3A_18 = arith.constant 2000 : i32
        %dma_start3A_19 = tpu.memref_slice %arg6[%dma_start3A_18] : memref<4000xf32, #tpu.memory_space<hbm>> -> memref<2000xf32, #tpu.memory_space<hbm>>
        tpu.enqueue_dma source(%arg11 : memref<2000xf32, #tpu.memory_space<vmem>>) target(%dma_start3A_19 : memref<2000xf32, #tpu.memory_space<hbm>>) target_semaphore(%run_scoped3A : memref<!tpu.dma_semaphore, #tpu.memory_space<semaphore_mem>>)
        %dma_wait3A = arith.constant 2000 : i32
        %dma_wait3A_20 = tpu.memref_slice %arg6[%dma_wait3A] : memref<4000xf32, #tpu.memory_space<hbm>> -> memref<2000xf32, #tpu.memory_space<hbm>>
        %dma_wait3A_21 = arith.constant 2000 : i32
        %dma_wait3A_22 = tpu.memref_slice %arg6[%dma_wait3A_21] : memref<4000xf32, #tpu.memory_space<hbm>> -> memref<2000xf32, #tpu.memory_space<hbm>>
        tpu.wait_dma2 semaphore(%run_scoped3A : memref<!tpu.dma_semaphore, #tpu.memory_space<semaphore_mem>>) src(%arg11 : memref<2000xf32, #tpu.memory_space<vmem>>) dst(%dma_wait3A_22 : memref<2000xf32, #tpu.memory_space<hbm>>)
        tpu.yield
      }) : () -> ()
    } else {
    }
    return
  }
}

</mosaic_0001>

<sc_bundles>
// kernel: _prep.3.cloned.1.call-start
scs
__scs_entry_jumppad:
0x0: {  	(pc) =	sbr.rel $0x88, $3  }
0x1: {  	(tag) =	ssettag $0x0;
	lr =	simm.s32 $0x1  }
0x2: {  	[smem:$0x3F9E] =	sst lr;
	_ =	strace $0xD0000000  }
0x3: {  	_ = 	snop  }
0x4: {  	_ = 	snop  }
0x5: {  	_ = 	snop  }
0x6: {  	_ = 	snop  }
0x7: {  	_ = 	snop  }
__scs_overlays_trampoline_lowered:
0x8: {  	[smem:$0x3FAD] =	sst s0  }
0x9: {  	[smem:$0x3FAE] =	sst s1  }
0xa: {  	[smem:$0x3FAF] =	sst s2  }
0xb: {  	[smem:$0x3FB0] =	sst s3  }
0xc: {  	[smem:$0x3FB1] =	sst s4  }
0xd: {  	[smem:$0x3FB2] =	sst s5  }
0xe: {  	[smem:$0x3FB3] =	sst s6  }
0xf: {  	[smem:$0x3FB4] =	sst s7  }
0x10: {  	[smem:$0x3FB5] =	sst s8  }
0x11: {  	[smem:$0x3FB6] =	sst s9;
	s0 =	simm.s32 @!p0 $0x0  }
0x12: {  	s1 =	sld [smem:$0x3F9C];
	s0 =	simm.s32 @p0 $0x1  }
0x13: {  	[smem:$0x3FB7] =	sst s0;
	s0 =	simm.s32 @!p1 $0x0  }
0x14: {  	s2 =	sld [smem:$0x3F9B];
	s0 =	simm.s32 @p1 $0x1  }
0x15: {  	[smem:$0x3FB8] =	sst s0;
	s0 =	simm.s32 @!p2 $0x0  }
0x16: {  	s3 =	sld [smem:$0x3FDB];
	s0 =	simm.s32 @p2 $0x1  }
0x17: {  	s4 =	simm.s32 $0x1BF5;
	[smem:$0x3FBA] =	sst s0  }
0x18: {  	s0 =	sld [smem:$0x3F9D];
	_ =	swait.ge [sflag:s4], $0x0  }
0x19: {  	s7 =	sld [smem:$0x3F9E]  }
0x1a: {  	s8 =	sadd.s32 $0xFFFFE003, lr  }
0x1b: {  	s9 =	sadd.s32 $0xFFFFFEF7, lr;
	s5 =	simm.s32 $0xFFFFFFFF;
	p2 =	slt.u32 s8, $0xFFFFF086  }
0x1c: {  	p1 =	slt.u32 s9, $0xF7A;
	s5 =	simm.s32 @!p2 $0x0  }
0x1d: {  	s5 =	simm.s32 @p1 $0x1;
	p0 =	seq.s32 s7, s2  }
0x1e: {  	s7 =	smul.u32 @!p0 $0xF7A, s2;
	p2 =	seq.s32 @!p0 s5, $0x0  }
0x1f: {  	s9 =	smul.u32 $0xF7A, s1;
	s8 =	simm.s32 @!p0 $0x1BF5;
	p2 =	por !p2, p0  }
0x20: {  	[sflag:s8] =	ssyncset.s32 @!p0 $0xFFFFF086;
	s6 =	sadd.s32 @!p0 s3, s7;
	s7 =	simm.s32 @!p0 $0x108  }
0x21: {  	s3 =	sadd.s32 s3, s9;
	s6 =	sadd.s32 @!p0 $0x88, s6;
	s7 =	simm.s32 @p2 $0x1082  }
0x22: {  	[simem:s7], [sflag:s8] =	dma.local @!p0 [hbm:s6], $0xF7A  }
0x23: {  	s9 =	sor.u32 $0xD0000000, s2;
	s6 =	simm.s32 $0x108;
	_ =	swait.ge @!p0 [sflag:s8], $0x0  }
0x24: {  	s3 =	sadd.s32 $0x88, s3;
	s6 =	simm.s32 @!p1 $0x1082;
	[sflag:s4] =	ssyncset.s32 $0xFFFFF086  }
0x25: {  	[simem:s6], [sflag:s4] =	dma.local [hbm:s3], $0xF7A  }
0x26: {  	[smem:$0x3F9E] =	sst s1;
	(tag) =	ssettag s2;
	_ =	strace s9  }
0x27: {  	s1 =	sld [smem:$0x3FAE]  }
0x28: {  	s2 =	sld [smem:$0x3FAF]  }
0x29: {  	s4 =	sld [smem:$0x3FB1]  }
0x2a: {  	p0 =	seq.s32 s5, $0x0;
	s5 =	sld [smem:$0x3FB2]  }
0x2b: {  	s6 =	sld [smem:$0x3FB3]  }
0x2c: {  	s7 =	sld [smem:$0x3FB4]  }
0x2d: {  	s3 =	simm.s32 $0x108;
	s8 =	sld [smem:$0x3FB5]  }
0x2e: {  	s3 =	simm.s32 @!p0 $0x1082;
	s9 =	sld [smem:$0x3FB6]  }
0x2f: {  	lr =	sadd.s32 s0, s3;
	s0 =	sld [smem:$0x3FAD]  }
0x30: {  	s3 =	sld [smem:$0x3FB0]  }
0x31: {  	[smem:$0x3FB9] =	sst s10  }
0x32: {  	s10 =	sld [smem:$0x3FB7];
	_ =	sdelay $0x3  }
0x33: {  	p0 =	seq.s32 s10, $0x1;
	s10 =	sld [smem:$0x3FB9];
	_ =	sdelay $0x3  }
0x34: {  	[smem:$0x3FB9] =	sst s10  }
0x35: {  	s10 =	sld [smem:$0x3FB8];
	_ =	sdelay $0x3  }
0x36: {  	p1 =	seq.s32 s10, $0x1;
	s10 =	sld [smem:$0x3FB9];
	_ =	sdelay $0x3  }
0x37: {  	[smem:$0x3FB9] =	sst s10  }
0x38: {  	s10 =	sld [smem:$0x3FBA]  }
0x39: {  	_ = 	snop;
	(pc) =	sbr.ind lr, $3  }
0x3a: {  	_ = 	snop  }
0x3b: {  	_ = 	snop  }
0x3c: {  	p2 =	seq.s32 s10, $0x1;
	s10 =	sld [smem:$0x3FB9]  }
0x3d: {  	_ =	shalt  }
0x3e: {  	_ =	shalt  }
0x3f: {  	_ =	shalt  }
0x40: {  	_ =	shalt  }
0x41: {  	_ =	shalt  }
0x42: {  	_ =	shalt  }
0x43: {  	_ =	shalt  }
0x44: {  	_ =	shalt  }
0x45: {  	_ =	shalt  }
0x46: {  	_ =	shalt  }
0x47: {  	_ =	shalt  }
0x48: {  	_ =	shalt  }
0x49: {  	_ =	shalt  }
0x4a: {  	_ =	shalt  }
0x4b: {  	_ =	shalt  }
0x4c: {  	_ =	shalt  }
0x4d: {  	_ =	shalt  }
0x4e: {  	_ =	shalt  }
0x4f: {  	_ =	shalt  }
0x50: {  	_ =	shalt  }
0x51: {  	_ =	shalt  }
0x52: {  	_ =	shalt  }
0x53: {  	_ =	shalt  }
0x54: {  	_ =	shalt  }
0x55: {  	_ =	shalt  }
0x56: {  	_ =	shalt  }
0x57: {  	_ =	shalt  }
0x58: {  	_ =	shalt  }
0x59: {  	_ =	shalt  }
0x5a: {  	_ =	shalt  }
0x5b: {  	_ =	shalt  }
0x5c: {  	_ =	shalt  }
0x5d: {  	_ =	shalt  }
0x5e: {  	_ =	shalt  }
0x5f: {  	_ =	shalt  }
0x60: {  	_ =	shalt  }
0x61: {  	_ =	shalt  }
0x62: {  	_ =	shalt  }
0x63: {  	_ =	shalt  }
0x64: {  	_ =	shalt  }
0x65: {  	_ =	shalt  }
0x66: {  	_ =	shalt  }
0x67: {  	_ =	shalt  }
0x68: {  	_ =	shalt  }
0x69: {  	_ =	shalt  }
0x6a: {  	_ =	shalt  }
0x6b: {  	_ =	shalt  }
0x6c: {  	_ =	shalt  }
0x6d: {  	_ =	shalt  }
0x6e: {  	_ =	shalt  }
0x6f: {  	_ =	shalt  }
0x70: {  	_ =	shalt  }
0x71: {  	_ =	shalt  }
0x72: {  	_ =	shalt  }
0x73: {  	_ =	shalt  }
0x74: {  	_ =	shalt  }
0x75: {  	_ =	shalt  }
0x76: {  	_ =	shalt  }
0x77: {  	_ =	shalt  }
0x78: {  	_ =	shalt  }
0x79: {  	_ =	shalt  }
0x7a: {  	_ =	shalt  }
0x7b: {  	_ =	shalt  }
0x7c: {  	_ =	shalt  }
0x7d: {  	_ =	shalt  }
0x7e: {  	_ =	shalt  }
0x7f: {  	_ =	shalt  }
0x80: {  	_ =	shalt  }
0x81: {  	_ =	shalt  }
0x82: {  	_ =	shalt  }
0x83: {  	_ =	shalt  }
0x84: {  	_ =	shalt  }
0x85: {  	_ =	shalt  }
0x86: {  	_ =	shalt  }
0x87: {  	_ =	shalt  }
.Lfunc_end0:
.L_simem_size_0:
called_computation_lowered:
.L_overlay_start_0:
0x88: {  	s2 =	sld [smem:$0x3FD9]  }
0x89: {  	s3 =	sld [smem:$0x3FFE];
	_ =	sdelay $0x1  }
0x8a: {  	s1 =	srdreg.scid  }
0x8b: {  	s0 =	sand.u32 $0x1, s1  }
0x8c: {  	s14 =	sshll.u32 s0, $0xA;
	s2 =	sadd.s32 s3, s2  }
0x8d: {  	s2 =	sadd.s32 s2, s14  }
0x8e: {  	[smem:$0x3FC5] =	sst s2  }
0x8f: {  	_ = 	snop  }
0x90: {  	s2 =	sld [smem:$0x3FD0];
	_ =	sdelay $0x1  }
0x91: {  	s15 =	sld [smem:$0x3FC8]  }
0x92: {  	s5 =	simm.s32 $0xA;
	s6 =	simm.s32 $0x10;
	s4 =	sld [smem:$0x3FC7]  }
0x93: {  	[smem:s6], [sflag:s5] =	dma.local [hbm:s2], $0x1  }
0x94: {  	_ =	swait.eq [sflag:s5], $0x1  }
0x95: {  	[sflag:s5] =	ssyncset.done $0x0  }
0x96: {  	s16 =	sld [smem:$0x10];
	[sflag:s5] =	ssyncadd.s32 $0xFFFFFFFF  }
0x97: {  	s17 =	sld [smem:$0x11];
	(tm) =	ssettm $0x1  }
0x98: {  	s18 =	sld [smem:$0x3FFB];
	_ =	sdelay $0x3  }
0x99: {  	_ =	strace s18  }
0x9a: {  	s6 =	sld [smem:$0x3FFC];
	_ =	sdelay $0x3  }
0x9b: {  	_ =	strace s6  }
0x9c: {  	s6 =	sld [smem:$0x3FFD];
	_ =	sdelay $0x3  }
0x9d: {  	_ =	strace s6  }
0x9e: {  	_ =	strace $0x8FFFFFFF  }
0x9f: {  	s19 =	sld [smem:$0x3FDB];
	_ =	sdelay $0x1  }
0xa0: {  	s7 =	simm.s32 $_scs_section_size  }
0xa1: {  	s8 =	simm.s32 $_size__tile_overlayer_lowered;
	s9 =	simm.s32 $_tile_overlayer_lowered  }
0xa2: {  	s22 =	simm.s32 $0x1BFF;
	s21 =	sshll.u32 s9, $0x1;
	s6 =	sadd.s32 s7, s19  }
0xa3: {  	s10 =	simm.s32 $0x0;
	s20 =	sshll.u32 s8, $0x1;
	s8 =	sadd.s32 s21, s6  }
0xa4: {  	[timem:s10], [sflag:s22] =	dma.local [hbm:s8], s20  }
0xa5: {  	_ =	swait.ge [sflag:s22], s20  }
0xa6: {  	s7 =	ssub.s32 $0x0, s20;
	[sflag:s22] =	ssyncset.done $0x0  }
0xa7: {  	[sflag:s22] =	ssyncadd.s32 s7;
	_ =	sdelay $0x1  }
0xa8: {  	s23 =	simm.s32 $0x1B8B  }
0xa9: {  	_ =	swait.ge [sflag:s23], $0x1  }
0xaa: {  	[sflag:s23] =	ssyncset.done $0x0  }
0xab: {  	s25 =	simm.s32 $0x1B8E;
	s24 =	sld [smem:$0x3FFE];
	[sflag:s23] =	ssyncadd.s32 $0xFFFFFFFF  }
0xac: {  	s26 =	simm.s32 $execute0_lowered;
	[smem:$0x3FD2] =	sst s25  }
0xad: {  	s8 =	sshll.u32 s26, $0x1;
	_ =	strace $0x80000046;
	[dreg:$0x1] =	wrdreg $0xFFFFFFFF  }
0xae: {  	s28 =	simm.s32 $_size_execute0_lowered;
	s6 =	sadd.s32 s6, s8;
	[dreg:$0x0] =	wrdreg $0x0  }
0xaf: {  	s8 =	sshll.u32 s28, $0x1;
	[dreg:$0x2] =	wrdreg s6  }
0xb0: {  	[dreg:$0x3] =	wrdreg s8  }
0xb1: {  	[dreg:$0x4] =	wrdreg $0xC0  }
0xb2: {  	_ =	task [dreg:s10], $0x5FFFF  }
0xb3: {  	[dreg:$0x1] =	wrdreg $0xFFFFFFFF  }
0xb4: {  	[dreg:$0x0] =	wrdreg $0x60  }
0xb5: {  	[dreg:$0x2] =	wrdreg s24  }
0xb6: {  	[dreg:$0x3] =	wrdreg s15  }
0xb7: {  	[dreg:$0x4] =	wrdreg s4  }
0xb8: {  	[dreg:$0x5] =	wrdreg s16  }
0xb9: {  	[dreg:$0x6] =	wrdreg s17  }
0xba: {  	[dreg:$0x7] =	wrdreg $0x9  }
0xbb: {  	_ =	task.clear_ibuf [dreg:s10], $0x8FFFF;
	_ =	strace $0x90000046  }
0xbc: {  	s29 =	simm.s32 $0x9;
	_ =	strace $0x80000048  }
0xbd: {  	_ =	swait.ge [sflag:s29], $0x1  }
0xbe: {  	[sflag:s29] =	ssyncadd.s32 $0xFFFFFFFF  }
0xbf: {  	_ =	strace $0x90000048  }
0xc0: {  	_ =	sfence  }
0xc1: {  	s30 =	sld [smem:$0x0];
	_ =	sdelay $0x2  }
0xc2: {  	s31 =	sshll.u32 s1, $0xD;
	s1 =	sshrl.u32 s1, $0x2  }
0xc3: {  	s3 =	sand.u32 $0x4000, s31;
	s1 =	sadd.s32 s1, s30  }
0xc4: {  	s0 =	sor.u32 s3, s0;
	s1 =	sshll.u32 s1, $0x11  }
0xc5: {  	s0 =	sor.u32 s1, s0  }
0xc6: {  	s0 =	sadd.s32 $0x8F2B, s0  }
0xc7: {  	[sflag:s0] =	ssyncadd.remote.s32 $0x1  }
0xc8: {  	_ =	sfence.sel $0xFFFF  }
0xc9: {  	[dreg:$0x0] =	wrdreg $0xFFFFFFFF;
	(pc) =	sbr.abs _section_cstart, $3  }
0xca: {  	[dreg:$0x1] =	wrdreg $0xFFFFFFFF  }
0xcb: {  	_ =	task.clear_ibuf [dreg:s10], $0x2FFFF;
	_ =	strace $0x9FFFFFFF  }
0xcc: {  	(tm) =	ssettm $0x7FFFFFFF  }
0xcd: {  	_ =	shalt  }
tec
execute0_lowered:
.L_overlay_start_1:
0x0: {  	(tag) =	ssettag $0x1  }
0x1: {  	s10 =	rddreg [dreg:$0x0]  }
0x2: {  	s1 =	rddreg [dreg:$0x1]  }
0x3: {  	s2 =	rddreg [dreg:$0x2]  }
0x4: {  	s3 =	rddreg [dreg:$0x3]  }
0x5: {  	s4 =	rddreg [dreg:$0x4];
	s6 =	srdreg.scid  }
0x6: {  	s0 =	rddreg [dreg:$0x5];
	s5 =	simm.s32 $0x0;
	s13 =	simm.s32 $0x2  }
0x7: {  	s14 =	simm.s32 $0x8000;
	s15 =	simm.s32 $0x1;
	s16 =	simm.s32 $0x1A000  }
0x8: {  	s17 =	simm.s32 $0x10000;
	s18 =	simm.s32 $0x15000;
	s19 =	simm.s32 $0x0  }
0x9: {  	s8 =	sand.u32 $0x1, s6;
	[smem:$0x7FF] =	sst s5;
	s6 =	stileid.u32  }
.Ltmp0:
0xa: {  	s7 =	sadd.s32 $0x600, s10;
	s9 =	ssub.s32 $0x2, s8;
	(pc) =	sbr.rel .LBB2_1-.Ltmp0, $4  }
0xb: {  	s10 =	sadd.s32 $0x186600, s10;
	s31 =	sshll.u32 s6, $0x1;
	s11 =	sshrl.u32 s9, $0x1  }
0xc: {  	_ =	strace $0x80000047;
	s8 =	sor.u32 s8, s31;
	s12 =	ssub.s32 s9, s11  }
0xd: {  	s9 =	sadd.s32 $0xFA, s4;
	s11 =	sadd.s32 $0x186000, s3;
	p0 =	seq.s32 s8, $0x0  }
0xe: {  	p1 =	seq.s32 s8, $0x1;
	p2 =	sne.s32 s8, $0x6;
	s12 =	smax.u32 s12, $0x1  }
.LBB2_14:
0xf: {  	[tilespmem:s16], [sflag:$0x1] =	stream.linear.gather [hbm4b:s2+s5], $0x800, $0x38;
	[tilespmem:$0x1A800] =	vst v63  }
0x10: {  	_ =	swait.ge [sflag:s15], $0x800  }
0x11: {  	[sflag:s15] =	ssyncset.done $0x0  }
0x12: {  	[sflag:s15] =	ssyncadd.s32 $0xFFFFF800  }
0x13: {  	[hbm4b:s9+s5] =	stream.linear.scatter [tilespmem:s16], [sflag:$0x1], $0x7D0, $0x38;
	[tilespmem:$0x1A800] =	vst v63  }
0x14: {  	_ =	swait.ge [sflag:s15], $0x7D0  }
0x15: {  	[sflag:s15] =	ssyncset.done $0x0  }
0x16: {  	[sflag:s15] =	ssyncadd.s32 $0xFFFFF830  }
.LBB2_15:
0x17: {  	s19 =	sadd.s32 $0x1, s19  }
0x18: {  	p3 =	sne.s32 s19, s12  }
.Ltmp1:
0x19: {  	_ = 	snop;
	(pc) =	sbr.rel @!p3 .LBB2_16-.Ltmp1, $1  }
0x1a: {  	_ =	sdelay $0x3  }
.LBB2_1:
.Ltmp2:
0x1b: {  	(pc) =	sbr.rel .LBB2_2-.Ltmp2, $2  }
0x1c: {  	_ =	sdelay $0x2  }
0x1d: {  	s20 =	simm.s32 $0x0  }
.LBB2_6:
0x1e: {  	s20 =	sadd.s32 $0x1, s20  }
0x1f: {  	p3 =	sne.s32 s20, $0xD  }
.Ltmp3:
0x20: {  	_ = 	snop;
	(pc) =	sbr.rel @!p3 .LBB2_7-.Ltmp3, $1  }
0x21: {  	_ =	sdelay $0x3  }
.LBB2_2:
0x22: {  	s21 =	sshll.u32 s20, $0x5  }
0x23: {  	s21 =	sor.u32 s8, s21  }
0x24: {  	p3 =	sgt.u32 s21, $0x185  }
.Ltmp4:
0x25: {  	_ = 	snop;
	(pc) =	sbr.rel @p3 .LBB2_6-.Ltmp4, $1  }
0x26: {  	_ =	sdelay $0x3  }
0x27: {  	s21 =	sshll.u32 s21, $0xC  }
0x28: {  	s22 =	sadd.s32 s7, s21  }
0x29: {  	[tilespmem:s5], [sflag:$0x2] =	stream.linear.gather [hbm4b:s22+s5], $0x8000, $0x38;
	[tilespmem:$0x1A800] =	vst v63  }
0x2a: {  	_ =	swait.ge [sflag:s13], $0x8000  }
0x2b: {  	[sflag:s13] =	ssyncset.done $0x0  }
0x2c: {  	s23 =	simm.s32 $0x200;
	[sflag:s13] =	ssyncadd.s32 $0xFFFF8000  }
0x2d: {  	v0 =	vld [tilespmem:s23+$0xFFFFFE00];
	_ =	sdelay $0x3  }
0x2e: {  	s22 =	simm.s32 $0x8200  }
0x2f: {  	[tilespmem:s22+$0xFFFFFE00] =	vst v0  }
0x30: {  	v0 =	vld [tilespmem:s23+$0xFFFFFE10];
	_ =	sdelay $0x4  }
0x31: {  	[tilespmem:s22+$0xFFFFFE10] =	vst v0  }
0x32: {  	v0 =	vld [tilespmem:s23+$0xFFFFFE20];
	_ =	sdelay $0x4  }
0x33: {  	[tilespmem:s22+$0xFFFFFE20] =	vst v0  }
0x34: {  	v0 =	vld [tilespmem:s23+$0xFFFFFE22];
	_ =	sdelay $0x4  }
0x35: {  	[tilespmem:s22+$0xFFFFFE22] =	vst v0  }
0x36: {  	v0 =	vld [tilespmem:s23+$0xFFFFFE80];
	_ =	sdelay $0x4  }
0x37: {  	[tilespmem:s22+$0xFFFFFE80] =	vst v0  }
0x38: {  	v0 =	vld [tilespmem:s23+$0xFFFFFE90];
	_ =	sdelay $0x4  }
0x39: {  	[tilespmem:s22+$0xFFFFFE90] =	vst v0  }
0x3a: {  	v0 =	vld [tilespmem:s23+$0xFFFFFEA0];
	_ =	sdelay $0x4  }
0x3b: {  	[tilespmem:s22+$0xFFFFFEA0] =	vst v0  }
0x3c: {  	v0 =	vld [tilespmem:s23+$0xFFFFFEA2];
	_ =	sdelay $0x4  }
0x3d: {  	[tilespmem:s22+$0xFFFFFEA2] =	vst v0  }
0x3e: {  	v0 =	vld [tilespmem:s23+$0xFFFFFF00];
	_ =	sdelay $0x4  }
0x3f: {  	[tilespmem:s22+$0xFFFFFF00] =	vst v0  }
0x40: {  	v0 =	vld [tilespmem:s23+$0xFFFFFF10];
	_ =	sdelay $0x4  }
0x41: {  	[tilespmem:s22+$0xFFFFFF10] =	vst v0  }
0x42: {  	v0 =	vld [tilespmem:s23+$0xFFFFFF20];
	_ =	sdelay $0x4  }
0x43: {  	[tilespmem:s22+$0xFFFFFF20] =	vst v0  }
0x44: {  	v0 =	vld [tilespmem:s23+$0xFFFFFF22];
	_ =	sdelay $0x4  }
0x45: {  	[tilespmem:s22+$0xFFFFFF22] =	vst v0  }
0x46: {  	v0 =	vld [tilespmem:s23+$0xFFFFFF80];
	_ =	sdelay $0x4  }
0x47: {  	[tilespmem:s22+$0xFFFFFF80] =	vst v0  }
0x48: {  	v0 =	vld [tilespmem:s23+$0xFFFFFF90];
	_ =	sdelay $0x4  }
0x49: {  	[tilespmem:s22+$0xFFFFFF90] =	vst v0  }
0x4a: {  	v0 =	vld [tilespmem:s23+$0xFFFFFFA0];
	_ =	sdelay $0x4  }
0x4b: {  	[tilespmem:s22+$0xFFFFFFA0] =	vst v0  }
0x4c: {  	v0 =	vld [tilespmem:s23+$0xFFFFFFA2];
	_ =	sdelay $0x4  }
0x4d: {  	[tilespmem:s22+$0xFFFFFFA2] =	vst v0  }
0x4e: {  	v0 =	vld [tilespmem:s23+$0x0];
	_ =	sdelay $0x4  }
0x4f: {  	[tilespmem:s22+$0x0] =	vst v0  }
0x50: {  	v0 =	vld [tilespmem:s23+$0x10];
	_ =	sdelay $0x4  }
0x51: {  	[tilespmem:s22+$0x10] =	vst v0  }
0x52: {  	v0 =	vld [tilespmem:s23+$0x20];
	_ =	sdelay $0x4  }
0x53: {  	[tilespmem:s22+$0x20] =	vst v0  }
0x54: {  	v0 =	vld [tilespmem:s23+$0x22];
	_ =	sdelay $0x4  }
0x55: {  	[tilespmem:s22+$0x22] =	vst v0  }
0x56: {  	v0 =	vld [tilespmem:s23+$0x80];
	_ =	sdelay $0x4  }
0x57: {  	[tilespmem:s22+$0x80] =	vst v0  }
0x58: {  	v0 =	vld [tilespmem:s23+$0x90];
	_ =	sdelay $0x4  }
0x59: {  	[tilespmem:s22+$0x90] =	vst v0  }
0x5a: {  	v0 =	vld [tilespmem:s23+$0xA0];
	_ =	sdelay $0x4  }
0x5b: {  	[tilespmem:s22+$0xA0] =	vst v0  }
0x5c: {  	v0 =	vld [tilespmem:s23+$0xA2];
	_ =	sdelay $0x4  }
0x5d: {  	[tilespmem:s22+$0xA2] =	vst v0  }
0x5e: {  	v0 =	vld [tilespmem:s23+$0x100];
	_ =	sdelay $0x4  }
0x5f: {  	[tilespmem:s22+$0x100] =	vst v0  }
0x60: {  	v0 =	vld [tilespmem:s23+$0x110];
	_ =	sdelay $0x4  }
0x61: {  	[tilespmem:s22+$0x110] =	vst v0  }
0x62: {  	v0 =	vld [tilespmem:s23+$0x120];
	_ =	sdelay $0x4  }
0x63: {  	[tilespmem:s22+$0x120] =	vst v0  }
0x64: {  	v0 =	vld [tilespmem:s23+$0x122];
	_ =	sdelay $0x4  }
0x65: {  	[tilespmem:s22+$0x122] =	vst v0  }
0x66: {  	v0 =	vld [tilespmem:s23+$0x180];
	_ =	sdelay $0x4  }
0x67: {  	[tilespmem:s22+$0x180] =	vst v0  }
0x68: {  	v0 =	vld [tilespmem:s23+$0x190];
	_ =	sdelay $0x4  }
0x69: {  	[tilespmem:s22+$0x190] =	vst v0  }
0x6a: {  	v0 =	vld [tilespmem:s23+$0x1A0];
	_ =	sdelay $0x4  }
0x6b: {  	[tilespmem:s22+$0x1A0] =	vst v0  }
0x6c: {  	v0 =	vld [tilespmem:s23+$0x1A2];
	_ =	sdelay $0x4  }
0x6d: {  	s24 =	simm.s32 $0x600;
	s23 =	simm.s32 $0x0;
	[tilespmem:s22+$0x1A2] =	vst v0  }
.LBB2_4:
0x6e: {  	v0 =	vld [tilespmem:s24+$0xFFFFFE00];
	s23 =	sadd.s32 $0x8, s23  }
0x6f: {  	p3 =	slt.u32 s23, $0xF8;
	_ =	sdelay $0x2  }
0x70: {  	s22 =	sadd.s32 $0x400, s22  }
0x71: {  	[tilespmem:s22+$0xFFFFFE00] =	vst v0  }
0x72: {  	v0 =	vld [tilespmem:s24+$0xFFFFFE10];
	_ =	sdelay $0x4  }
0x73: {  	[tilespmem:s22+$0xFFFFFE10] =	vst v0  }
0x74: {  	v0 =	vld [tilespmem:s24+$0xFFFFFE20];
	_ =	sdelay $0x4  }
0x75: {  	[tilespmem:s22+$0xFFFFFE20] =	vst v0  }
0x76: {  	v0 =	vld [tilespmem:s24+$0xFFFFFE22];
	_ =	sdelay $0x4  }
0x77: {  	[tilespmem:s22+$0xFFFFFE22] =	vst v0  }
0x78: {  	v0 =	vld [tilespmem:s24+$0xFFFFFE80];
	_ =	sdelay $0x4  }
0x79: {  	[tilespmem:s22+$0xFFFFFE80] =	vst v0  }
0x7a: {  	v0 =	vld [tilespmem:s24+$0xFFFFFE90];
	_ =	sdelay $0x4  }
0x7b: {  	[tilespmem:s22+$0xFFFFFE90] =	vst v0  }
0x7c: {  	v0 =	vld [tilespmem:s24+$0xFFFFFEA0];
	_ =	sdelay $0x4  }
0x7d: {  	[tilespmem:s22+$0xFFFFFEA0] =	vst v0  }
0x7e: {  	v0 =	vld [tilespmem:s24+$0xFFFFFEA2];
	_ =	sdelay $0x4  }
0x7f: {  	[tilespmem:s22+$0xFFFFFEA2] =	vst v0  }
0x80: {  	v0 =	vld [tilespmem:s24+$0xFFFFFF00];
	_ =	sdelay $0x4  }
0x81: {  	[tilespmem:s22+$0xFFFFFF00] =	vst v0  }
0x82: {  	v0 =	vld [tilespmem:s24+$0xFFFFFF10];
	_ =	sdelay $0x4  }
0x83: {  	[tilespmem:s22+$0xFFFFFF10] =	vst v0  }
0x84: {  	v0 =	vld [tilespmem:s24+$0xFFFFFF20];
	_ =	sdelay $0x4  }
0x85: {  	[tilespmem:s22+$0xFFFFFF20] =	vst v0  }
0x86: {  	v0 =	vld [tilespmem:s24+$0xFFFFFF22];
	_ =	sdelay $0x4  }
0x87: {  	[tilespmem:s22+$0xFFFFFF22] =	vst v0  }
0x88: {  	v0 =	vld [tilespmem:s24+$0xFFFFFF80];
	_ =	sdelay $0x4  }
0x89: {  	[tilespmem:s22+$0xFFFFFF80] =	vst v0  }
0x8a: {  	v0 =	vld [tilespmem:s24+$0xFFFFFF90];
	_ =	sdelay $0x4  }
0x8b: {  	[tilespmem:s22+$0xFFFFFF90] =	vst v0  }
0x8c: {  	v0 =	vld [tilespmem:s24+$0xFFFFFFA0];
	_ =	sdelay $0x4  }
0x8d: {  	[tilespmem:s22+$0xFFFFFFA0] =	vst v0  }
0x8e: {  	v0 =	vld [tilespmem:s24+$0xFFFFFFA2];
	_ =	sdelay $0x4  }
0x8f: {  	[tilespmem:s22+$0xFFFFFFA2] =	vst v0  }
0x90: {  	v0 =	vld [tilespmem:s24+$0x0];
	_ =	sdelay $0x4  }
0x91: {  	[tilespmem:s22+$0x0] =	vst v0  }
0x92: {  	v0 =	vld [tilespmem:s24+$0x10];
	_ =	sdelay $0x4  }
0x93: {  	[tilespmem:s22+$0x10] =	vst v0  }
0x94: {  	v0 =	vld [tilespmem:s24+$0x20];
	_ =	sdelay $0x4  }
0x95: {  	[tilespmem:s22+$0x20] =	vst v0  }
0x96: {  	v0 =	vld [tilespmem:s24+$0x22];
	_ =	sdelay $0x4  }
0x97: {  	[tilespmem:s22+$0x22] =	vst v0  }
0x98: {  	v0 =	vld [tilespmem:s24+$0x80];
	_ =	sdelay $0x4  }
0x99: {  	[tilespmem:s22+$0x80] =	vst v0  }
0x9a: {  	v0 =	vld [tilespmem:s24+$0x90];
	_ =	sdelay $0x4  }
0x9b: {  	[tilespmem:s22+$0x90] =	vst v0  }
0x9c: {  	v0 =	vld [tilespmem:s24+$0xA0];
	_ =	sdelay $0x4  }
0x9d: {  	[tilespmem:s22+$0xA0] =	vst v0  }
0x9e: {  	v0 =	vld [tilespmem:s24+$0xA2];
	_ =	sdelay $0x4  }
0x9f: {  	[tilespmem:s22+$0xA2] =	vst v0  }
0xa0: {  	v0 =	vld [tilespmem:s24+$0x100];
	_ =	sdelay $0x4  }
0xa1: {  	[tilespmem:s22+$0x100] =	vst v0  }
0xa2: {  	v0 =	vld [tilespmem:s24+$0x110];
	_ =	sdelay $0x4  }
0xa3: {  	[tilespmem:s22+$0x110] =	vst v0  }
0xa4: {  	v0 =	vld [tilespmem:s24+$0x120];
	_ =	sdelay $0x4  }
0xa5: {  	[tilespmem:s22+$0x120] =	vst v0  }
0xa6: {  	v0 =	vld [tilespmem:s24+$0x122];
	_ =	sdelay $0x4  }
0xa7: {  	[tilespmem:s22+$0x122] =	vst v0  }
0xa8: {  	v0 =	vld [tilespmem:s24+$0x180];
	_ =	sdelay $0x4  }
0xa9: {  	[tilespmem:s22+$0x180] =	vst v0  }
0xaa: {  	v0 =	vld [tilespmem:s24+$0x190];
	_ =	sdelay $0x4  }
0xab: {  	[tilespmem:s22+$0x190] =	vst v0  }
0xac: {  	v0 =	vld [tilespmem:s24+$0x1A0];
	_ =	sdelay $0x4  }
0xad: {  	[tilespmem:s22+$0x1A0] =	vst v0  }
0xae: {  	v0 =	vld [tilespmem:s24+$0x1A2]  }
.Ltmp5:
0xaf: {  	(pc) =	sbr.rel @p3 .LBB2_4-.Ltmp5, $2  }
0xb0: {  	_ =	sdelay $0x2  }
0xb1: {  	s24 =	sadd.s32 $0x400, s24;
	[tilespmem:s22+$0x1A2] =	vst v0  }
.Ltmp6:
0xb2: {  	s21 =	sadd.s32 s3, s21;
	(pc) =	sbr.rel .LBB2_6-.Ltmp6, $4  }
0xb3: {  	[hbm4b:s21+s5] =	stream.linear.scatter [tilespmem:s14], [sflag:$0x1], $0x8000, $0x38;
	[tilespmem:$0x1A800] =	vst v63  }
0xb4: {  	_ =	swait.ge [sflag:s15], $0x8000  }
0xb5: {  	[sflag:s15] =	ssyncset.done $0x0  }
0xb6: {  	[sflag:s15] =	ssyncadd.s32 $0xFFFF8000  }
.LBB2_7:
.Ltmp7:
0xb7: {  	(pc) =	sbr.rel @p0 .LBB2_13-.Ltmp7, $1  }
0xb8: {  	_ =	sdelay $0x3  }
.Ltmp8:
0xb9: {  	(pc) =	sbr.rel @p1 .LBB2_14-.Ltmp8, $1  }
0xba: {  	_ =	sdelay $0x3  }
.Ltmp9:
0xbb: {  	(pc) =	sbr.rel @p2 .LBB2_15-.Ltmp9, $1  }
0xbc: {  	_ =	sdelay $0x3  }
0xbd: {  	[tilespmem:s17], [sflag:$0x1] =	stream.linear.gather [hbm4b:s10+s5], $0x5000, $0x38;
	[tilespmem:$0x1A800] =	vst v63  }
0xbe: {  	_ =	swait.ge [sflag:s15], $0x5000  }
0xbf: {  	[sflag:s15] =	ssyncset.done $0x0  }
0xc0: {  	s21 =	simm.s32 $0x10200;
	[sflag:s15] =	ssyncadd.s32 $0xFFFFB000  }
0xc1: {  	v0 =	vld [tilespmem:s21+$0xFFFFFE00];
	_ =	sdelay $0x3  }
0xc2: {  	s20 =	simm.s32 $0x15200  }
0xc3: {  	[tilespmem:s20+$0xFFFFFE00] =	vst v0  }
0xc4: {  	v0 =	vld [tilespmem:s21+$0xFFFFFE10];
	_ =	sdelay $0x4  }
0xc5: {  	[tilespmem:s20+$0xFFFFFE10] =	vst v0  }
0xc6: {  	v0 =	vld [tilespmem:s21+$0xFFFFFE20];
	_ =	sdelay $0x4  }
0xc7: {  	[tilespmem:s20+$0xFFFFFE20] =	vst v0  }
0xc8: {  	v0 =	vld [tilespmem:s21+$0xFFFFFE22];
	_ =	sdelay $0x4  }
0xc9: {  	[tilespmem:s20+$0xFFFFFE22] =	vst v0  }
0xca: {  	v0 =	vld [tilespmem:s21+$0xFFFFFE80];
	_ =	sdelay $0x4  }
0xcb: {  	[tilespmem:s20+$0xFFFFFE80] =	vst v0  }
0xcc: {  	v0 =	vld [tilespmem:s21+$0xFFFFFE90];
	_ =	sdelay $0x4  }
0xcd: {  	[tilespmem:s20+$0xFFFFFE90] =	vst v0  }
0xce: {  	v0 =	vld [tilespmem:s21+$0xFFFFFEA0];
	_ =	sdelay $0x4  }
0xcf: {  	[tilespmem:s20+$0xFFFFFEA0] =	vst v0  }
0xd0: {  	v0 =	vld [tilespmem:s21+$0xFFFFFEA2];
	_ =	sdelay $0x4  }
0xd1: {  	[tilespmem:s20+$0xFFFFFEA2] =	vst v0  }
0xd2: {  	v0 =	vld [tilespmem:s21+$0xFFFFFF00];
	_ =	sdelay $0x4  }
0xd3: {  	[tilespmem:s20+$0xFFFFFF00] =	vst v0  }
0xd4: {  	v0 =	vld [tilespmem:s21+$0xFFFFFF10];
	_ =	sdelay $0x4  }
0xd5: {  	[tilespmem:s20+$0xFFFFFF10] =	vst v0  }
0xd6: {  	v0 =	vld [tilespmem:s21+$0xFFFFFF20];
	_ =	sdelay $0x4  }
0xd7: {  	[tilespmem:s20+$0xFFFFFF20] =	vst v0  }
0xd8: {  	v0 =	vld [tilespmem:s21+$0xFFFFFF22];
	_ =	sdelay $0x4  }
0xd9: {  	[tilespmem:s20+$0xFFFFFF22] =	vst v0  }
0xda: {  	v0 =	vld [tilespmem:s21+$0xFFFFFF80];
	_ =	sdelay $0x4  }
0xdb: {  	[tilespmem:s20+$0xFFFFFF80] =	vst v0  }
0xdc: {  	v0 =	vld [tilespmem:s21+$0xFFFFFF90];
	_ =	sdelay $0x4  }
0xdd: {  	[tilespmem:s20+$0xFFFFFF90] =	vst v0  }
0xde: {  	v0 =	vld [tilespmem:s21+$0xFFFFFFA0];
	_ =	sdelay $0x4  }
0xdf: {  	[tilespmem:s20+$0xFFFFFFA0] =	vst v0  }
0xe0: {  	v0 =	vld [tilespmem:s21+$0xFFFFFFA2];
	_ =	sdelay $0x4  }
0xe1: {  	[tilespmem:s20+$0xFFFFFFA2] =	vst v0  }
0xe2: {  	v0 =	vld [tilespmem:s21+$0x0];
	_ =	sdelay $0x4  }
0xe3: {  	[tilespmem:s20+$0x0] =	vst v0  }
0xe4: {  	v0 =	vld [tilespmem:s21+$0x10];
	_ =	sdelay $0x4  }
0xe5: {  	[tilespmem:s20+$0x10] =	vst v0  }
0xe6: {  	v0 =	vld [tilespmem:s21+$0x20];
	_ =	sdelay $0x4  }
0xe7: {  	[tilespmem:s20+$0x20] =	vst v0  }
0xe8: {  	v0 =	vld [tilespmem:s21+$0x22];
	_ =	sdelay $0x4  }
0xe9: {  	[tilespmem:s20+$0x22] =	vst v0  }
0xea: {  	v0 =	vld [tilespmem:s21+$0x80];
	_ =	sdelay $0x4  }
0xeb: {  	[tilespmem:s20+$0x80] =	vst v0  }
0xec: {  	v0 =	vld [tilespmem:s21+$0x90];
	_ =	sdelay $0x4  }
0xed: {  	[tilespmem:s20+$0x90] =	vst v0  }
0xee: {  	v0 =	vld [tilespmem:s21+$0xA0];
	_ =	sdelay $0x4  }
0xef: {  	[tilespmem:s20+$0xA0] =	vst v0  }
0xf0: {  	v0 =	vld [tilespmem:s21+$0xA2];
	_ =	sdelay $0x4  }
0xf1: {  	[tilespmem:s20+$0xA2] =	vst v0  }
0xf2: {  	v0 =	vld [tilespmem:s21+$0x100];
	_ =	sdelay $0x4  }
0xf3: {  	[tilespmem:s20+$0x100] =	vst v0  }
0xf4: {  	v0 =	vld [tilespmem:s21+$0x110];
	_ =	sdelay $0x4  }
0xf5: {  	[tilespmem:s20+$0x110] =	vst v0  }
0xf6: {  	v0 =	vld [tilespmem:s21+$0x120];
	_ =	sdelay $0x4  }
0xf7: {  	[tilespmem:s20+$0x120] =	vst v0  }
0xf8: {  	v0 =	vld [tilespmem:s21+$0x122];
	_ =	sdelay $0x4  }
0xf9: {  	[tilespmem:s20+$0x122] =	vst v0  }
0xfa: {  	v0 =	vld [tilespmem:s21+$0x180];
	_ =	sdelay $0x4  }
0xfb: {  	[tilespmem:s20+$0x180] =	vst v0  }
0xfc: {  	v0 =	vld [tilespmem:s21+$0x190];
	_ =	sdelay $0x4  }
0xfd: {  	[tilespmem:s20+$0x190] =	vst v0  }
0xfe: {  	v0 =	vld [tilespmem:s21+$0x1A0];
	_ =	sdelay $0x4  }
0xff: {  	[tilespmem:s20+$0x1A0] =	vst v0  }
0x100: {  	v0 =	vld [tilespmem:s21+$0x1A2];
	_ =	sdelay $0x4  }
0x101: {  	s22 =	simm.s32 $0x10600;
	s21 =	simm.s32 $0x0;
	[tilespmem:s20+$0x1A2] =	vst v0  }
.LBB2_11:
0x102: {  	v0 =	vld [tilespmem:s22+$0xFFFFFE00];
	s21 =	sadd.s32 $0x8, s21  }
0x103: {  	p3 =	slt.u32 s21, $0x98;
	_ =	sdelay $0x2  }
0x104: {  	s20 =	sadd.s32 $0x400, s20  }
0x105: {  	[tilespmem:s20+$0xFFFFFE00] =	vst v0  }
0x106: {  	v0 =	vld [tilespmem:s22+$0xFFFFFE10];
	_ =	sdelay $0x4  }
0x107: {  	[tilespmem:s20+$0xFFFFFE10] =	vst v0  }
0x108: {  	v0 =	vld [tilespmem:s22+$0xFFFFFE20];
	_ =	sdelay $0x4  }
0x109: {  	[tilespmem:s20+$0xFFFFFE20] =	vst v0  }
0x10a: {  	v0 =	vld [tilespmem:s22+$0xFFFFFE22];
	_ =	sdelay $0x4  }
0x10b: {  	[tilespmem:s20+$0xFFFFFE22] =	vst v0  }
0x10c: {  	v0 =	vld [tilespmem:s22+$0xFFFFFE80];
	_ =	sdelay $0x4  }
0x10d: {  	[tilespmem:s20+$0xFFFFFE80] =	vst v0  }
0x10e: {  	v0 =	vld [tilespmem:s22+$0xFFFFFE90];
	_ =	sdelay $0x4  }
0x10f: {  	[tilespmem:s20+$0xFFFFFE90] =	vst v0  }
0x110: {  	v0 =	vld [tilespmem:s22+$0xFFFFFEA0];
	_ =	sdelay $0x4  }
0x111: {  	[tilespmem:s20+$0xFFFFFEA0] =	vst v0  }
0x112: {  	v0 =	vld [tilespmem:s22+$0xFFFFFEA2];
	_ =	sdelay $0x4  }
0x113: {  	[tilespmem:s20+$0xFFFFFEA2] =	vst v0  }
0x114: {  	v0 =	vld [tilespmem:s22+$0xFFFFFF00];
	_ =	sdelay $0x4  }
0x115: {  	[tilespmem:s20+$0xFFFFFF00] =	vst v0  }
0x116: {  	v0 =	vld [tilespmem:s22+$0xFFFFFF10];
	_ =	sdelay $0x4  }
0x117: {  	[tilespmem:s20+$0xFFFFFF10] =	vst v0  }
0x118: {  	v0 =	vld [tilespmem:s22+$0xFFFFFF20];
	_ =	sdelay $0x4  }
0x119: {  	[tilespmem:s20+$0xFFFFFF20] =	vst v0  }
0x11a: {  	v0 =	vld [tilespmem:s22+$0xFFFFFF22];
	_ =	sdelay $0x4  }
0x11b: {  	[tilespmem:s20+$0xFFFFFF22] =	vst v0  }
0x11c: {  	v0 =	vld [tilespmem:s22+$0xFFFFFF80];
	_ =	sdelay $0x4  }
0x11d: {  	[tilespmem:s20+$0xFFFFFF80] =	vst v0  }
0x11e: {  	v0 =	vld [tilespmem:s22+$0xFFFFFF90];
	_ =	sdelay $0x4  }
0x11f: {  	[tilespmem:s20+$0xFFFFFF90] =	vst v0  }
0x120: {  	v0 =	vld [tilespmem:s22+$0xFFFFFFA0];
	_ =	sdelay $0x4  }
0x121: {  	[tilespmem:s20+$0xFFFFFFA0] =	vst v0  }
0x122: {  	v0 =	vld [tilespmem:s22+$0xFFFFFFA2];
	_ =	sdelay $0x4  }
0x123: {  	[tilespmem:s20+$0xFFFFFFA2] =	vst v0  }
0x124: {  	v0 =	vld [tilespmem:s22+$0x0];
	_ =	sdelay $0x4  }
0x125: {  	[tilespmem:s20+$0x0] =	vst v0  }
0x126: {  	v0 =	vld [tilespmem:s22+$0x10];
	_ =	sdelay $0x4  }
0x127: {  	[tilespmem:s20+$0x10] =	vst v0  }
0x128: {  	v0 =	vld [tilespmem:s22+$0x20];
	_ =	sdelay $0x4  }
0x129: {  	[tilespmem:s20+$0x20] =	vst v0  }
0x12a: {  	v0 =	vld [tilespmem:s22+$0x22];
	_ =	sdelay $0x4  }
0x12b: {  	[tilespmem:s20+$0x22] =	vst v0  }
0x12c: {  	v0 =	vld [tilespmem:s22+$0x80];
	_ =	sdelay $0x4  }
0x12d: {  	[tilespmem:s20+$0x80] =	vst v0  }
0x12e: {  	v0 =	vld [tilespmem:s22+$0x90];
	_ =	sdelay $0x4  }
0x12f: {  	[tilespmem:s20+$0x90] =	vst v0  }
0x130: {  	v0 =	vld [tilespmem:s22+$0xA0];
	_ =	sdelay $0x4  }
0x131: {  	[tilespmem:s20+$0xA0] =	vst v0  }
0x132: {  	v0 =	vld [tilespmem:s22+$0xA2];
	_ =	sdelay $0x4  }
0x133: {  	[tilespmem:s20+$0xA2] =	vst v0  }
0x134: {  	v0 =	vld [tilespmem:s22+$0x100];
	_ =	sdelay $0x4  }
0x135: {  	[tilespmem:s20+$0x100] =	vst v0  }
0x136: {  	v0 =	vld [tilespmem:s22+$0x110];
	_ =	sdelay $0x4  }
0x137: {  	[tilespmem:s20+$0x110] =	vst v0  }
0x138: {  	v0 =	vld [tilespmem:s22+$0x120];
	_ =	sdelay $0x4  }
0x139: {  	[tilespmem:s20+$0x120] =	vst v0  }
0x13a: {  	v0 =	vld [tilespmem:s22+$0x122];
	_ =	sdelay $0x4  }
0x13b: {  	[tilespmem:s20+$0x122] =	vst v0  }
0x13c: {  	v0 =	vld [tilespmem:s22+$0x180];
	_ =	sdelay $0x4  }
0x13d: {  	[tilespmem:s20+$0x180] =	vst v0  }
0x13e: {  	v0 =	vld [tilespmem:s22+$0x190];
	_ =	sdelay $0x4  }
0x13f: {  	[tilespmem:s20+$0x190] =	vst v0  }
0x140: {  	v0 =	vld [tilespmem:s22+$0x1A0];
	_ =	sdelay $0x4  }
0x141: {  	[tilespmem:s20+$0x1A0] =	vst v0  }
0x142: {  	v0 =	vld [tilespmem:s22+$0x1A2]  }
.Ltmp10:
0x143: {  	(pc) =	sbr.rel @p3 .LBB2_11-.Ltmp10, $2  }
0x144: {  	_ =	sdelay $0x2  }
0x145: {  	s22 =	sadd.s32 $0x400, s22;
	[tilespmem:s20+$0x1A2] =	vst v0  }
.Ltmp11:
0x146: {  	(pc) =	sbr.rel .LBB2_15-.Ltmp11, $4  }
0x147: {  	[hbm4b:s11+s5] =	stream.linear.scatter [tilespmem:s18], [sflag:$0x1], $0x5000, $0x38;
	[tilespmem:$0x1A800] =	vst v63  }
0x148: {  	_ =	swait.ge [sflag:s15], $0x5000  }
0x149: {  	[sflag:s15] =	ssyncset.done $0x0  }
0x14a: {  	[sflag:s15] =	ssyncadd.s32 $0xFFFFB000  }
.LBB2_13:
0x14b: {  	[tilespmem:s16], [sflag:$0x1] =	stream.linear.gather [hbm4b:s1+s5], $0x800, $0x38;
	[tilespmem:$0x1A800] =	vst v63  }
0x14c: {  	_ =	swait.ge [sflag:s15], $0x800  }
0x14d: {  	[sflag:s15] =	ssyncset.done $0x0  }
.Ltmp12:
0x14e: {  	[sflag:s15] =	ssyncadd.s32 $0xFFFFF800;
	(pc) =	sbr.rel .LBB2_15-.Ltmp12, $4  }
0x14f: {  	[hbm4b:s4+s5] =	stream.linear.scatter [tilespmem:s16], [sflag:$0x1], $0x7D0, $0x38;
	[tilespmem:$0x1A800] =	vst v63  }
0x150: {  	_ =	swait.ge [sflag:s15], $0x7D0  }
0x151: {  	[sflag:s15] =	ssyncset.done $0x0  }
0x152: {  	[sflag:s15] =	ssyncadd.s32 $0xFFFFF830  }
.LBB2_16:
0x153: {  	_ =	sfence.sel $0x180000  }
0x154: {  	[bflag:$0x0] =	sbarrier.arrive $0xFFFF  }
0x155: {  	p0 =	sne.s32 s6, $0x0;
	_ =	strace $0x90000047  }
0x156: {  	s0 =	sadd.s32 @!p0 $0x100000, s0;
	[bflag:$0x2] =	sbarrier.arrive $0xFFFF  }
0x157: {  	[sflag:s0] =	ssyncadd.tile.s32 @!p0 $0x1;
	_ =	shalt  }
.Lfunc_end2:
_tile_overlayer_lowered:
.L_overlay_start_2:
0x158: {  	(tag) =	ssettag $0x2  }
0x159: {  	s0 =	rddreg [dreg:$0x0];
	s2 =	stileid.u32  }
0x15a: {  	s1 =	rddreg [dreg:$0x1];
	p0 =	sne.s32 s2, $0x0  }
0x15b: {  	s3 =	rddreg [dreg:$0x2];
	[bflag:$0x3] =	sbarrier.arrive $0xFFFF;
	s2 =	simm.s32 @!p0 $0x1C01  }
0x15c: {  	[timem:s3], [sflag:s2] =	dma.local @!p0 [hbm:s0], s1  }
0x15d: {  	s0 =	simm.s32 @!p0 $0x1  }
0x15e: {  	_ =	swait.ge @!p0 [sflag:s0], s1  }
0x15f: {  	s1 =	ssub.s32 @!p0 $0x0, s1;
	[sflag:s0] =	ssyncset.done @!p0 $0x0  }
0x160: {  	[sflag:s0] =	ssyncadd.s32 @!p0 s1  }
0x161: {  	[bflag:$0x3] =	sbarrier.arrive $0xFFFF  }
0x162: {  	_ =	shalt  }

</sc_bundles>
